<compile_context>
chip_gen: v7x
topology: tpu7x:2x2x1
jax: 0.10.2.dev20260603
libtpu: 0.0.44.dev20260713+nightly
codegen_flags: <defaults>
</compile_context>

<pallas_src>
import jax
import jax.numpy as jnp
from jax import lax
from jax.experimental import pallas as pl
from jax.experimental.pallas import tpu as pltpu
from jax.experimental.pallas import tpu_sc as plsc

_N = 10000
_E = 320000
_D = 128

_NC = 2
_NS = 16
_NW = _NC * _NS
_EPT = _E // _NW
_CHUNK = 80
_ITERS = _EPT // _CHUNK
_NP = 10240
_RPT = _NP // _NS
_LANES = 16


def _sc_segsum(with_counts):
    mesh = plsc.VectorSubcoreMesh(
        core_axis_name="c", subcore_axis_name="s",
        num_cores=_NC, num_subcores=_NS)

    out_type = [jax.ShapeDtypeStruct((_NC, _NP, _D), jnp.float32)]
    scratch = [
        pltpu.VMEM((_EPT,), jnp.int32),
        pltpu.VMEM((_CHUNK,), jnp.int32),
        pltpu.VMEM((_CHUNK,), jnp.int32),
        pltpu.VMEM((_CHUNK,), jnp.int32),
        pltpu.VMEM((_CHUNK, _D), jnp.float32),
        pltpu.VMEM((_CHUNK, _D), jnp.float32),
        pltpu.VMEM((_CHUNK, _D), jnp.float32),
        pltpu.VMEM_SHARED((_NP, _D), jnp.float32),
        pltpu.SemaphoreType.DMA,
        pltpu.SemaphoreType.DMA,
        pltpu.SemaphoreType.DMA,
        pltpu.SemaphoreType.DMA,
        pltpu.SemaphoreType.DMA,
        pltpu.SemaphoreType.DMA,
    ]
    if with_counts:
        out_type.append(jax.ShapeDtypeStruct((_NC, _NP), jnp.float32))
        scratch += [
            pltpu.VMEM((_CHUNK,), jnp.float32),
            pltpu.VMEM((_RPT,), jnp.float32),
            pltpu.VMEM_SHARED((_NP,), jnp.float32),
            pltpu.SemaphoreType.DMA,
            pltpu.SemaphoreType.DMA,
            pltpu.SemaphoreType.DMA,
        ]

    def body(x_hbm, ei_hbm, *refs):
        if with_counts:
            (agg_out, cnt_out, isrc, ib0, ib1, ib2, rows0, rows1, rows2,
             acc, g0, g1, g2, s0, s1, s2, ones_v, zv, cacc,
             c0, c1, c2) = refs
            csems = (c0, c1, c2)
        else:
            (agg_out, isrc, ib0, ib1, ib2, rows0, rows1, rows2,
             acc, g0, g1, g2, s0, s1, s2) = refs
        ibs = (ib0, ib1, ib2)
        rows = (rows0, rows1, rows2)
        gsems = (g0, g1, g2)
        ssems = (s0, s1, s2)

        c = lax.axis_index("c")
        s = lax.axis_index("s")
        w = c * _NS + s
        ebase = pl.multiple_of(w * _EPT, 8)
        row0 = s * _RPT
        zero16 = jnp.zeros((_LANES,), jnp.float32)

        def issue_stage(chunk, u):
            off = pl.multiple_of(_E + w * _EPT + chunk * _CHUNK, 8)
            pltpu.async_copy(ei_hbm.at[pl.ds(off, _CHUNK)], ibs[u], gsems[u])

        def issue_gather(chunk, u):
            off = pl.multiple_of(chunk * _CHUNK, 8)
            pltpu.async_copy(x_hbm.at[isrc.at[pl.ds(off, _CHUNK)]],
                             rows[u], gsems[u])

        def wait_pair(u):
            pltpu.make_async_copy(
                ei_hbm.at[pl.ds(0, _CHUNK)], ibs[u], gsems[u]).wait()
            pltpu.make_async_copy(
                x_hbm.at[isrc.at[pl.ds(0, _CHUNK)]], rows[u],
                gsems[u]).wait()

        def issue_scatter(u):
            if with_counts:
                pltpu.async_copy(ones_v, cacc.at[ibs[u]], csems[u],
                                 add=True)
            pltpu.async_copy(rows[u], acc.at[ibs[u]], ssems[u], add=True)

        def wait_scatter(u):
            pltpu.make_async_copy(rows[u], acc.at[ibs[u]], ssems[u]).wait()
            if with_counts:
                pltpu.make_async_copy(ones_v, cacc.at[ibs[u]],
                                      csems[u]).wait()

        pltpu.async_copy(ei_hbm.at[pl.ds(ebase, _EPT)], isrc, g0)

        def zrow(j, _):
            for k in range(_D // _LANES):
                rows2[j, pl.ds(k * _LANES, _LANES)] = zero16
            return 0
        lax.fori_loop(0, _CHUNK, zrow, 0)

        if with_counts:
            def fill(j, _):
                ones_v[pl.ds(j * _LANES, _LANES)] = zero16 + 1.0
                return 0
            lax.fori_loop(0, _CHUNK // _LANES, fill, 0)

            def zc(j, _):
                zv[pl.ds(j * _LANES, _LANES)] = zero16
                return 0
            lax.fori_loop(0, _RPT // _LANES, zc, 0)

        pltpu.make_async_copy(ei_hbm.at[pl.ds(0, _EPT)], isrc, g0).wait()
        issue_stage(0, 0)
        issue_gather(0, 0)
        issue_stage(1, 1)
        issue_gather(1, 1)

        for off in range(0, _RPT, _CHUNK):
            pltpu.async_copy(rows2, acc.at[pl.ds(row0 + off, _CHUNK)], s0)
        if with_counts:
            pltpu.sync_copy(zv, cacc.at[pl.ds(row0, _RPT)])
        for _ in range(_RPT // _CHUNK):
            pltpu.make_async_copy(
                rows2, acc.at[pl.ds(row0, _CHUNK)], s0).wait()
        plsc.subcore_barrier()

        def step(k, _):
            for u in range(3):
                chunk = 3 * k + u

                @pl.when(chunk < _ITERS)
                def _():
                    wait_pair(u)
                    issue_scatter(u)

                nu = (u + 2) % 3

                @pl.when(chunk + 2 < _ITERS)
                def _():
                    if u == 0:
                        @pl.when(k >= 1)
                        def _():
                            wait_scatter(nu)
                    else:
                        wait_scatter(nu)
                    issue_stage(chunk + 2, nu)
                    issue_gather(chunk + 2, nu)
            return 0
        lax.fori_loop(0, (_ITERS + 4) // 3, step, 0)

        for u in range(3):
            wait_scatter(u)

        plsc.subcore_barrier()

        pltpu.sync_copy(acc.at[pl.ds(row0, _RPT)],
                        agg_out.at[c, pl.ds(row0, _RPT)])
        if with_counts:
            pltpu.sync_copy(cacc.at[pl.ds(row0, _RPT)],
                            cnt_out.at[c, pl.ds(row0, _RPT)])

    return pl.kernel(body, out_type=out_type, mesh=mesh,
                     scratch_types=scratch,
                     name="sc_segsum_cnt" if with_counts else "sc_segsum")


_RB = 2000
_GRID = _N // _RB


def _tc1_body(agg, cnt, x, wl, b, wr, h_out, inv_out):
    s = agg[0] + agg[1]
    ctot = cnt[0] + cnt[1]
    inv = 1.0 / jnp.maximum(ctot, 1.0)
    mean = s * inv
    out = (jnp.dot(mean, wl[...], preferred_element_type=jnp.float32)
           + jnp.dot(x[...], wr[...], preferred_element_type=jnp.float32)
           + b[...])
    h_out[...] = jnp.maximum(out, 0.0)
    inv_out[...] = inv


def _tc2_body(agg, inv, h, wl, b, wr, out_ref):
    s = agg[0] + agg[1]
    mean = s * inv[...]
    out = (jnp.dot(mean, wl[...], preferred_element_type=jnp.float32)
           + jnp.dot(h[...], wr[...], preferred_element_type=jnp.float32)
           + b[...])
    nrm = jnp.sqrt(jnp.sum(out * out, axis=1, keepdims=True))
    out = out / jnp.maximum(nrm, 1e-12)
    out_ref[...] = jnp.maximum(out, 0.0)


_row_spec = pl.BlockSpec((_RB, _D), lambda i: (i, 0))
_w_spec = pl.BlockSpec((_D, _D), lambda i: (0, 0))
_b_spec = pl.BlockSpec((1, _D), lambda i: (0, 0))

_tc1 = pl.pallas_call(
    _tc1_body,
    grid=(_GRID,),
    in_specs=[
        pl.BlockSpec((_NC, _RB, _D), lambda i: (0, i, 0)),
        pl.BlockSpec((_NC, _RB, 1), lambda i: (0, i, 0)),
        _row_spec,
        _w_spec,
        _b_spec,
        _w_spec,
    ],
    out_specs=[_row_spec, pl.BlockSpec((_RB, 1), lambda i: (i, 0))],
    out_shape=[
        jax.ShapeDtypeStruct((_N, _D), jnp.float32),
        jax.ShapeDtypeStruct((_N, 1), jnp.float32),
    ],
)

_tc2 = pl.pallas_call(
    _tc2_body,
    grid=(_GRID,),
    in_specs=[
        pl.BlockSpec((_NC, _RB, _D), lambda i: (0, i, 0)),
        pl.BlockSpec((_RB, 1), lambda i: (i, 0)),
        _row_spec,
        _w_spec,
        _b_spec,
        _w_spec,
    ],
    out_specs=_row_spec,
    out_shape=jax.ShapeDtypeStruct((_N, _D), jnp.float32),
)

_sc_layer1 = _sc_segsum(with_counts=True)
_sc_layer2 = _sc_segsum(with_counts=False)


@jax.jit
def kernel(matrix_nodes_features, edge_index, W1l, b1, W1r, W2l, b2, W2r):
    x = matrix_nodes_features
    ei = edge_index.astype(jnp.int32).reshape(-1)

    agg1, cnt = _sc_layer1(x, ei)
    h, inv = _tc1(agg1, cnt.reshape(_NC, _NP, 1), x,
                  W1l, b1.reshape(1, _D), W1r)
    agg2, = _sc_layer2(h, ei)
    return _tc2(agg2, inv, h, W2l, b2.reshape(1, _D), W2r)

# --- scband reference (transcript-rebuilt; emitter-appended) ---
"""Pipeline reference for scband-graph-sage-local-6871947673826 (READ-ONLY COPY).

The authoritative reference and input builder live on the scoring server;
editing this copy changes nothing except your own understanding.
"""

import jax, jax.numpy as jnp
import numpy as np

N = 10000
E = 320000
D = 128
H = 128
O = 128


def setup_inputs(seed: int = 0) -> dict:
    key = jax.random.key(seed)
    ks = jax.random.split(key, 9)
    x = jax.random.normal(ks[0], (N, D), dtype=jnp.float32)
    edge_index = jax.random.randint(ks[1], (2, E), 0, N)
    W1l = jax.random.normal(ks[2], (D, H), dtype=jnp.float32) * 0.05
    b1 = jnp.zeros((H,), dtype=jnp.float32)
    W1r = jax.random.normal(ks[3], (D, H), dtype=jnp.float32) * 0.05
    W2l = jax.random.normal(ks[4], (H, O), dtype=jnp.float32) * 0.05
    b2 = jnp.zeros((O,), dtype=jnp.float32)
    W2r = jax.random.normal(ks[5], (H, O), dtype=jnp.float32) * 0.05
    return {"matrix_nodes_features": x, "edge_index": edge_index,
            "W1l": W1l, "b1": b1, "W1r": W1r,
            "W2l": W2l, "b2": b2, "W2r": W2r}


def _sage_conv(x, edge_index, Wl, b, Wr, normalize):
    # PyG SAGEConv (aggr='mean', project=False, root_weight=True):
    # out = lin_l(mean_{j in N(i)} x_j) + lin_r(x_i); optional L2 normalize.
    src = edge_index[0]
    dst = edge_index[1]
    num_nodes = x.shape[0]
    msg = jnp.take(x, src, axis=0)                                  # gather
    summed = jax.ops.segment_sum(msg, dst, num_segments=num_nodes)  # scatter-add
    cnt = jax.ops.segment_sum(jnp.ones((edge_index.shape[1],), x.dtype), dst,
                              num_segments=num_nodes)
    mean = summed / jnp.clip(cnt, 1.0)[:, None]
    out = mean @ Wl + b + x @ Wr
    if normalize:
        nrm = jnp.linalg.norm(out, ord=2, axis=-1, keepdims=True)
        out = out / jnp.maximum(nrm, 1e-12)
    return out


def reference(matrix_nodes_features, edge_index, W1l, b1, W1r, W2l, b2, W2r):
    # dropout p=0.0 and eval mode -> identity
    h = _sage_conv(matrix_nodes_features, edge_index, W1l, b1, W1r, False)
    h = jax.nn.relu(h)
    h = _sage_conv(h, edge_index, W2l, b2, W2r, True)
    h = jax.nn.relu(h)
    return h

if __name__ == "__main__":
    import jax
    _d = setup_inputs()
    print(jax.jit(kernel)(*tuple(_d.values())))

</pallas_src>

<mosaic_0001>
#map = affine_map<(d0, d1) -> (0, 0)>
#map1 = affine_map<(d0, d1) -> (0)>
#map2 = affine_map<(d0, d1) -> (0, 0, 0)>
module attributes {stable_mosaic.version = 14 : i64} {
  func.func @sc_segsum(%arg0: i32, %arg1: i32, %arg2: memref<10000x128xf32, #tpu.memory_space<hbm>>, %arg3: memref<640000xi32, #tpu.memory_space<hbm>>, %arg4: memref<2x10240x128xf32, #tpu.memory_space<hbm>>, %arg5: memref<10000xi32, #tpu.memory_space<vmem>>, %arg6: memref<80xi32, #tpu.memory_space<vmem>>, %arg7: memref<80xi32, #tpu.memory_space<vmem>>, %arg8: memref<80xi32, #tpu.memory_space<vmem>>, %arg9: memref<80x128xf32, #tpu.memory_space<vmem>>, %arg10: memref<80x128xf32, #tpu.memory_space<vmem>>, %arg11: memref<80x128xf32, #tpu.memory_space<vmem>>, %arg12: memref<10240x128xf32, #tpu.memory_space<vmem_shared>>, %arg13: memref<!tpu.dma_semaphore, #tpu.memory_space<semaphore_mem>>, %arg14: memref<!tpu.dma_semaphore, #tpu.memory_space<semaphore_mem>>, %arg15: memref<!tpu.dma_semaphore, #tpu.memory_space<semaphore_mem>>, %arg16: memref<!tpu.dma_semaphore, #tpu.memory_space<semaphore_mem>>, %arg17: memref<!tpu.dma_semaphore, #tpu.memory_space<semaphore_mem>>, %arg18: memref<!tpu.dma_semaphore, #tpu.memory_space<semaphore_mem>>) attributes {dimension_semantics = [#tpu.dimension_semantics<core_parallel>, #tpu.dimension_semantics<subcore_parallel>], iteration_bounds = array<i64: 2, 16>, scalar_prefetch = 0 : i64, scratch_operands = 14 : i64, tpu.core_type = #tpu.core_type<sc_vector_subcore>, window_params = [{transform_indices = #map}, {transform_indices = #map1}, {transform_indices = #map2}]} {
    %mul3A = arith.constant 16 : i32
    %mul3A_0 = arith.muli %arg0, %mul3A : i32
    %add3A = arith.addi %mul3A_0, %arg1 : i32
    %mul3A_1 = arith.constant 10000 : i32
    %mul3A_2 = arith.muli %add3A, %mul3A_1 : i32
    %multiple_of3A = tpu.assume_multiple %mul3A_2, 8 : i32
    %mul3A_3 = arith.constant 640 : i32
    %mul3A_4 = arith.muli %arg1, %mul3A_3 : i32
    %broadcast_in_dim3A = arith.constant 0.000000e+00 : f32
    %broadcast_in_dim3A_5 = vector.broadcast %broadcast_in_dim3A : f32 to vector<16xf32>
    %dma_start3A = tpu.memref_slice %arg3[%multiple_of3A] : memref<640000xi32, #tpu.memory_space<hbm>> -> memref<10000xi32, #tpu.memory_space<hbm>>
    %dma_start3A_6 = tpu.memref_slice %arg3[%multiple_of3A] : memref<640000xi32, #tpu.memory_space<hbm>> -> memref<10000xi32, #tpu.memory_space<hbm>>
    tpu.enqueue_dma source(%dma_start3A_6 : memref<10000xi32, #tpu.memory_space<hbm>>) target(%arg5 : memref<10000xi32, #tpu.memory_space<vmem>>) target_semaphore(%arg13 : memref<!tpu.dma_semaphore, #tpu.memory_space<semaphore_mem>>)
    %scan3A = arith.constant 0 : i32
    %scan3A_7 = arith.constant 0 : i32
    %scan3A_8 = arith.constant 80 : i32
    %scan3A_9 = arith.addi %scan3A_7, %scan3A_8 : i32
    %scan3A_10 = arith.constant 1 : i32
    %scan3A_11 = scf.for %scan3A_143 = %scan3A_7 to %scan3A_9 step %scan3A_10 iter_args(%scan3A_144 = %scan3A) -> (i32)  : i32 {
      %swap3A = arith.index_cast %scan3A_143 : i32 to index
      %swap3A_145 = arith.constant 0 : index
      %swap3A_146 = tpu.vector_load %arg11[%swap3A, %swap3A_145] {strides = array<i32>} : memref<80x128xf32, #tpu.memory_space<vmem>>, vector<1x16xf32>,
      %swap3A_147 = vector.shape_cast %swap3A_146 : vector<1x16xf32> to vector<16xf32>
      %swap3A_148 = vector.shape_cast %broadcast_in_dim3A_5 : vector<16xf32> to vector<1x16xf32>
      tpu.vector_store %arg11[%swap3A, %swap3A_145], %swap3A_148 {strides = array<i32>} : memref<80x128xf32, #tpu.memory_space<vmem>>, vector<1x16xf32>,
      %swap3A_149 = arith.index_cast %scan3A_143 : i32 to index
      %swap3A_150 = arith.constant 16 : index
      %swap3A_151 = tpu.vector_load %arg11[%swap3A_149, %swap3A_150] {strides = array<i32>} : memref<80x128xf32, #tpu.memory_space<vmem>>, vector<1x16xf32>,
      %swap3A_152 = vector.shape_cast %swap3A_151 : vector<1x16xf32> to vector<16xf32>
      %swap3A_153 = vector.shape_cast %broadcast_in_dim3A_5 : vector<16xf32> to vector<1x16xf32>
      tpu.vector_store %arg11[%swap3A_149, %swap3A_150], %swap3A_153 {strides = array<i32>} : memref<80x128xf32, #tpu.memory_space<vmem>>, vector<1x16xf32>,
      %swap3A_154 = arith.index_cast %scan3A_143 : i32 to index
      %swap3A_155 = arith.constant 32 : index
      %swap3A_156 = tpu.vector_load %arg11[%swap3A_154, %swap3A_155] {strides = array<i32>} : memref<80x128xf32, #tpu.memory_space<vmem>>, vector<1x16xf32>,
      %swap3A_157 = vector.shape_cast %swap3A_156 : vector<1x16xf32> to vector<16xf32>
      %swap3A_158 = vector.shape_cast %broadcast_in_dim3A_5 : vector<16xf32> to vector<1x16xf32>
      tpu.vector_store %arg11[%swap3A_154, %swap3A_155], %swap3A_158 {strides = array<i32>} : memref<80x128xf32, #tpu.memory_space<vmem>>, vector<1x16xf32>,
      %swap3A_159 = arith.index_cast %scan3A_143 : i32 to index
      %swap3A_160 = arith.constant 48 : index
      %swap3A_161 = tpu.vector_load %arg11[%swap3A_159, %swap3A_160] {strides = array<i32>} : memref<80x128xf32, #tpu.memory_space<vmem>>, vector<1x16xf32>,
      %swap3A_162 = vector.shape_cast %swap3A_161 : vector<1x16xf32> to vector<16xf32>
      %swap3A_163 = vector.shape_cast %broadcast_in_dim3A_5 : vector<16xf32> to vector<1x16xf32>
      tpu.vector_store %arg11[%swap3A_159, %swap3A_160], %swap3A_163 {strides = array<i32>} : memref<80x128xf32, #tpu.memory_space<vmem>>, vector<1x16xf32>,
      %swap3A_164 = arith.index_cast %scan3A_143 : i32 to index
      %swap3A_165 = arith.constant 64 : index
      %swap3A_166 = tpu.vector_load %arg11[%swap3A_164, %swap3A_165] {strides = array<i32>} : memref<80x128xf32, #tpu.memory_space<vmem>>, vector<1x16xf32>,
      %swap3A_167 = vector.shape_cast %swap3A_166 : vector<1x16xf32> to vector<16xf32>
      %swap3A_168 = vector.shape_cast %broadcast_in_dim3A_5 : vector<16xf32> to vector<1x16xf32>
      tpu.vector_store %arg11[%swap3A_164, %swap3A_165], %swap3A_168 {strides = array<i32>} : memref<80x128xf32, #tpu.memory_space<vmem>>, vector<1x16xf32>,
      %swap3A_169 = arith.index_cast %scan3A_143 : i32 to index
      %swap3A_170 = arith.constant 80 : index
      %swap3A_171 = tpu.vector_load %arg11[%swap3A_169, %swap3A_170] {strides = array<i32>} : memref<80x128xf32, #tpu.memory_space<vmem>>, vector<1x16xf32>,
      %swap3A_172 = vector.shape_cast %swap3A_171 : vector<1x16xf32> to vector<16xf32>
      %swap3A_173 = vector.shape_cast %broadcast_in_dim3A_5 : vector<16xf32> to vector<1x16xf32>
      tpu.vector_store %arg11[%swap3A_169, %swap3A_170], %swap3A_173 {strides = array<i32>} : memref<80x128xf32, #tpu.memory_space<vmem>>, vector<1x16xf32>,
      %swap3A_174 = arith.index_cast %scan3A_143 : i32 to index
      %swap3A_175 = arith.constant 96 : index
      %swap3A_176 = tpu.vector_load %arg11[%swap3A_174, %swap3A_175] {strides = array<i32>} : memref<80x128xf32, #tpu.memory_space<vmem>>, vector<1x16xf32>,
      %swap3A_177 = vector.shape_cast %swap3A_176 : vector<1x16xf32> to vector<16xf32>
      %swap3A_178 = vector.shape_cast %broadcast_in_dim3A_5 : vector<16xf32> to vector<1x16xf32>
      tpu.vector_store %arg11[%swap3A_174, %swap3A_175], %swap3A_178 {strides = array<i32>} : memref<80x128xf32, #tpu.memory_space<vmem>>, vector<1x16xf32>,
      %swap3A_179 = arith.index_cast %scan3A_143 : i32 to index
      %swap3A_180 = arith.constant 112 : index
      %swap3A_181 = tpu.vector_load %arg11[%swap3A_179, %swap3A_180] {strides = array<i32>} : memref<80x128xf32, #tpu.memory_space<vmem>>, vector<1x16xf32>,
      %swap3A_182 = vector.shape_cast %swap3A_181 : vector<1x16xf32> to vector<16xf32>
      %swap3A_183 = vector.shape_cast %broadcast_in_dim3A_5 : vector<16xf32> to vector<1x16xf32>
      tpu.vector_store %arg11[%swap3A_179, %swap3A_180], %swap3A_183 {strides = array<i32>} : memref<80x128xf32, #tpu.memory_space<vmem>>, vector<1x16xf32>,
      %scan3A_184 = arith.constant 0 : i32
      scf.yield %scan3A_184 : i32
    }
    %scan3A_12 = arith.constant 80 : i32
    %dma_wait3A = arith.constant 0 : i32
    %dma_wait3A_13 = tpu.memref_slice %arg3[%dma_wait3A] : memref<640000xi32, #tpu.memory_space<hbm>> -> memref<10000xi32, #tpu.memory_space<hbm>>
    %dma_wait3A_14 = arith.constant 0 : i32
    %dma_wait3A_15 = tpu.memref_slice %arg3[%dma_wait3A_14] : memref<640000xi32, #tpu.memory_space<hbm>> -> memref<10000xi32, #tpu.memory_space<hbm>>
    tpu.wait_dma2 semaphore(%arg13 : memref<!tpu.dma_semaphore, #tpu.memory_space<semaphore_mem>>) src(%dma_wait3A_15 : memref<10000xi32, #tpu.memory_space<hbm>>) dst(%arg5 : memref<10000xi32, #tpu.memory_space<vmem>>)
    %mul3A_16 = arith.constant 10000 : i32
    %mul3A_17 = arith.muli %add3A, %mul3A_16 : i32
    %add3A_18 = arith.constant 320000 : i32
    %add3A_19 = arith.addi %add3A_18, %mul3A_17 : i32
    %add3A_20 = arith.constant 0 : i32
    %add3A_21 = arith.addi %add3A_19, %add3A_20 : i32
    %multiple_of3A_22 = tpu.assume_multiple %add3A_21, 8 : i32
    %dma_start3A_23 = tpu.memref_slice %arg3[%multiple_of3A_22] : memref<640000xi32, #tpu.memory_space<hbm>> -> memref<80xi32, #tpu.memory_space<hbm>>
    %dma_start3A_24 = tpu.memref_slice %arg3[%multiple_of3A_22] : memref<640000xi32, #tpu.memory_space<hbm>> -> memref<80xi32, #tpu.memory_space<hbm>>
    tpu.enqueue_dma source(%dma_start3A_24 : memref<80xi32, #tpu.memory_space<hbm>>) target(%arg6 : memref<80xi32, #tpu.memory_space<vmem>>) target_semaphore(%arg13 : memref<!tpu.dma_semaphore, #tpu.memory_space<semaphore_mem>>)
    %multiple_of3A_25 = arith.constant 0 : i32
    %multiple_of3A_26 = tpu.assume_multiple %multiple_of3A_25, 8 : i32
    %dma_start3A_27 = tpu.memref_slice %arg5[%multiple_of3A_26] : memref<10000xi32, #tpu.memory_space<vmem>> -> memref<80xi32, #tpu.memory_space<vmem>>
    %dma_start3A_28 = arith.constant 0 : i32
    %dma_start3A_29 = arith.constant 0 : i32
    %dma_start3A_30 = tpu.memref_slice %arg2[%dma_start3A_28, %dma_start3A_29] : memref<10000x128xf32, #tpu.memory_space<hbm>> -> memref<10000x128xf32, #tpu.memory_space<hbm>>
    tpu.enqueue_indirect_dma source(%dma_start3A_30 : memref<10000x128xf32, #tpu.memory_space<hbm>>) target(%arg9 : memref<80x128xf32, #tpu.memory_space<vmem>>) offsets(%dma_start3A_27 : memref<80xi32, #tpu.memory_space<vmem>>) semaphore(%arg13 : memref<!tpu.dma_semaphore, #tpu.memory_space<semaphore_mem>>)
    %mul3A_31 = arith.constant 10000 : i32
    %mul3A_32 = arith.muli %add3A, %mul3A_31 : i32
    %add3A_33 = arith.constant 320000 : i32
    %add3A_34 = arith.addi %add3A_33, %mul3A_32 : i32
    %add3A_35 = arith.constant 80 : i32
    %add3A_36 = arith.addi %add3A_34, %add3A_35 : i32
    %multiple_of3A_37 = tpu.assume_multiple %add3A_36, 8 : i32
    %dma_start3A_38 = tpu.memref_slice %arg3[%multiple_of3A_37] : memref<640000xi32, #tpu.memory_space<hbm>> -> memref<80xi32, #tpu.memory_space<hbm>>
    %dma_start3A_39 = tpu.memref_slice %arg3[%multiple_of3A_37] : memref<640000xi32, #tpu.memory_space<hbm>> -> memref<80xi32, #tpu.memory_space<hbm>>
    tpu.enqueue_dma source(%dma_start3A_39 : memref<80xi32, #tpu.memory_space<hbm>>) target(%arg7 : memref<80xi32, #tpu.memory_space<vmem>>) target_semaphore(%arg14 : memref<!tpu.dma_semaphore, #tpu.memory_space<semaphore_mem>>)
    %multiple_of3A_40 = arith.constant 80 : i32
    %multiple_of3A_41 = tpu.assume_multiple %multiple_of3A_40, 8 : i32
    %dma_start3A_42 = tpu.memref_slice %arg5[%multiple_of3A_41] : memref<10000xi32, #tpu.memory_space<vmem>> -> memref<80xi32, #tpu.memory_space<vmem>>
    %dma_start3A_43 = arith.constant 0 : i32
    %dma_start3A_44 = arith.constant 0 : i32
    %dma_start3A_45 = tpu.memref_slice %arg2[%dma_start3A_43, %dma_start3A_44] : memref<10000x128xf32, #tpu.memory_space<hbm>> -> memref<10000x128xf32, #tpu.memory_space<hbm>>
    tpu.enqueue_indirect_dma source(%dma_start3A_45 : memref<10000x128xf32, #tpu.memory_space<hbm>>) target(%arg10 : memref<80x128xf32, #tpu.memory_space<vmem>>) offsets(%dma_start3A_42 : memref<80xi32, #tpu.memory_space<vmem>>) semaphore(%arg14 : memref<!tpu.dma_semaphore, #tpu.memory_space<semaphore_mem>>)
    %add3A_46 = arith.constant 0 : i32
    %add3A_47 = arith.addi %mul3A_4, %add3A_46 : i32
    %dma_start3A_48 = arith.constant 0 : i32
    %dma_start3A_49 = tpu.memref_slice %arg12[%add3A_47, %dma_start3A_48] : memref<10240x128xf32, #tpu.memory_space<vmem_shared>> -> memref<80x128xf32, #tpu.memory_space<vmem_shared>>
    %dma_start3A_50 = arith.constant 0 : i32
    %dma_start3A_51 = tpu.memref_slice %arg12[%add3A_47, %dma_start3A_50] : memref<10240x128xf32, #tpu.memory_space<vmem_shared>> -> memref<80x128xf32, #tpu.memory_space<vmem_shared>>
    tpu.enqueue_dma source(%arg11 : memref<80x128xf32, #tpu.memory_space<vmem>>) target(%dma_start3A_51 : memref<80x128xf32, #tpu.memory_space<vmem_shared>>) target_semaphore(%arg16 : memref<!tpu.dma_semaphore, #tpu.memory_space<semaphore_mem>>)
    %add3A_52 = arith.constant 80 : i32
    %add3A_53 = arith.addi %mul3A_4, %add3A_52 : i32
    %dma_start3A_54 = arith.constant 0 : i32
    %dma_start3A_55 = tpu.memref_slice %arg12[%add3A_53, %dma_start3A_54] : memref<10240x128xf32, #tpu.memory_space<vmem_shared>> -> memref<80x128xf32, #tpu.memory_space<vmem_shared>>
    %dma_start3A_56 = arith.constant 0 : i32
    %dma_start3A_57 = tpu.memref_slice %arg12[%add3A_53, %dma_start3A_56] : memref<10240x128xf32, #tpu.memory_space<vmem_shared>> -> memref<80x128xf32, #tpu.memory_space<vmem_shared>>
    tpu.enqueue_dma source(%arg11 : memref<80x128xf32, #tpu.memory_space<vmem>>) target(%dma_start3A_57 : memref<80x128xf32, #tpu.memory_space<vmem_shared>>) target_semaphore(%arg16 : memref<!tpu.dma_semaphore, #tpu.memory_space<semaphore_mem>>)
    %add3A_58 = arith.constant 160 : i32
    %add3A_59 = arith.addi %mul3A_4, %add3A_58 : i32
    %dma_start3A_60 = arith.constant 0 : i32
    %dma_start3A_61 = tpu.memref_slice %arg12[%add3A_59, %dma_start3A_60] : memref<10240x128xf32, #tpu.memory_space<vmem_shared>> -> memref<80x128xf32, #tpu.memory_space<vmem_shared>>
    %dma_start3A_62 = arith.constant 0 : i32
    %dma_start3A_63 = tpu.memref_slice %arg12[%add3A_59, %dma_start3A_62] : memref<10240x128xf32, #tpu.memory_space<vmem_shared>> -> memref<80x128xf32, #tpu.memory_space<vmem_shared>>
    tpu.enqueue_dma source(%arg11 : memref<80x128xf32, #tpu.memory_space<vmem>>) target(%dma_start3A_63 : memref<80x128xf32, #tpu.memory_space<vmem_shared>>) target_semaphore(%arg16 : memref<!tpu.dma_semaphore, #tpu.memory_space<semaphore_mem>>)
    %add3A_64 = arith.constant 240 : i32
    %add3A_65 = arith.addi %mul3A_4, %add3A_64 : i32
    %dma_start3A_66 = arith.constant 0 : i32
    %dma_start3A_67 = tpu.memref_slice %arg12[%add3A_65, %dma_start3A_66] : memref<10240x128xf32, #tpu.memory_space<vmem_shared>> -> memref<80x128xf32, #tpu.memory_space<vmem_shared>>
    %dma_start3A_68 = arith.constant 0 : i32
    %dma_start3A_69 = tpu.memref_slice %arg12[%add3A_65, %dma_start3A_68] : memref<10240x128xf32, #tpu.memory_space<vmem_shared>> -> memref<80x128xf32, #tpu.memory_space<vmem_shared>>
    tpu.enqueue_dma source(%arg11 : memref<80x128xf32, #tpu.memory_space<vmem>>) target(%dma_start3A_69 : memref<80x128xf32, #tpu.memory_space<vmem_shared>>) target_semaphore(%arg16 : memref<!tpu.dma_semaphore, #tpu.memory_space<semaphore_mem>>)
    %add3A_70 = arith.constant 320 : i32
    %add3A_71 = arith.addi %mul3A_4, %add3A_70 : i32
    %dma_start3A_72 = arith.constant 0 : i32
    %dma_start3A_73 = tpu.memref_slice %arg12[%add3A_71, %dma_start3A_72] : memref<10240x128xf32, #tpu.memory_space<vmem_shared>> -> memref<80x128xf32, #tpu.memory_space<vmem_shared>>
    %dma_start3A_74 = arith.constant 0 : i32
    %dma_start3A_75 = tpu.memref_slice %arg12[%add3A_71, %dma_start3A_74] : memref<10240x128xf32, #tpu.memory_space<vmem_shared>> -> memref<80x128xf32, #tpu.memory_space<vmem_shared>>
    tpu.enqueue_dma source(%arg11 : memref<80x128xf32, #tpu.memory_space<vmem>>) target(%dma_start3A_75 : memref<80x128xf32, #tpu.memory_space<vmem_shared>>) target_semaphore(%arg16 : memref<!tpu.dma_semaphore, #tpu.memory_space<semaphore_mem>>)
    %add3A_76 = arith.constant 400 : i32
    %add3A_77 = arith.addi %mul3A_4, %add3A_76 : i32
    %dma_start3A_78 = arith.constant 0 : i32
    %dma_start3A_79 = tpu.memref_slice %arg12[%add3A_77, %dma_start3A_78] : memref<10240x128xf32, #tpu.memory_space<vmem_shared>> -> memref<80x128xf32, #tpu.memory_space<vmem_shared>>
    %dma_start3A_80 = arith.constant 0 : i32
    %dma_start3A_81 = tpu.memref_slice %arg12[%add3A_77, %dma_start3A_80] : memref<10240x128xf32, #tpu.memory_space<vmem_shared>> -> memref<80x128xf32, #tpu.memory_space<vmem_shared>>
    tpu.enqueue_dma source(%arg11 : memref<80x128xf32, #tpu.memory_space<vmem>>) target(%dma_start3A_81 : memref<80x128xf32, #tpu.memory_space<vmem_shared>>) target_semaphore(%arg16 : memref<!tpu.dma_semaphore, #tpu.memory_space<semaphore_mem>>)
    %add3A_82 = arith.constant 480 : i32
    %add3A_83 = arith.addi %mul3A_4, %add3A_82 : i32
    %dma_start3A_84 = arith.constant 0 : i32
    %dma_start3A_85 = tpu.memref_slice %arg12[%add3A_83, %dma_start3A_84] : memref<10240x128xf32, #tpu.memory_space<vmem_shared>> -> memref<80x128xf32, #tpu.memory_space<vmem_shared>>
    %dma_start3A_86 = arith.constant 0 : i32
    %dma_start3A_87 = tpu.memref_slice %arg12[%add3A_83, %dma_start3A_86] : memref<10240x128xf32, #tpu.memory_space<vmem_shared>> -> memref<80x128xf32, #tpu.memory_space<vmem_shared>>
    tpu.enqueue_dma source(%arg11 : memref<80x128xf32, #tpu.memory_space<vmem>>) target(%dma_start3A_87 : memref<80x128xf32, #tpu.memory_space<vmem_shared>>) target_semaphore(%arg16 : memref<!tpu.dma_semaphore, #tpu.memory_space<semaphore_mem>>)
    %add3A_88 = arith.constant 560 : i32
    %add3A_89 = arith.addi %mul3A_4, %add3A_88 : i32
    %dma_start3A_90 = arith.constant 0 : i32
    %dma_start3A_91 = tpu.memref_slice %arg12[%add3A_89, %dma_start3A_90] : memref<10240x128xf32, #tpu.memory_space<vmem_shared>> -> memref<80x128xf32, #tpu.memory_space<vmem_shared>>
    %dma_start3A_92 = arith.constant 0 : i32
    %dma_start3A_93 = tpu.memref_slice %arg12[%add3A_89, %dma_start3A_92] : memref<10240x128xf32, #tpu.memory_space<vmem_shared>> -> memref<80x128xf32, #tpu.memory_space<vmem_shared>>
    tpu.enqueue_dma source(%arg11 : memref<80x128xf32, #tpu.memory_space<vmem>>) target(%dma_start3A_93 : memref<80x128xf32, #tpu.memory_space<vmem_shared>>) target_semaphore(%arg16 : memref<!tpu.dma_semaphore, #tpu.memory_space<semaphore_mem>>)
    %dma_wait3A_94 = arith.constant 0 : i32
    %dma_wait3A_95 = tpu.memref_slice %arg12[%mul3A_4, %dma_wait3A_94] : memref<10240x128xf32, #tpu.memory_space<vmem_shared>> -> memref<80x128xf32, #tpu.memory_space<vmem_shared>>
    %dma_wait3A_96 = arith.constant 0 : i32
    %dma_wait3A_97 = tpu.memref_slice %arg12[%mul3A_4, %dma_wait3A_96] : memref<10240x128xf32, #tpu.memory_space<vmem_shared>> -> memref<80x128xf32, #tpu.memory_space<vmem_shared>>
    tpu.wait_dma2 semaphore(%arg16 : memref<!tpu.dma_semaphore, #tpu.memory_space<semaphore_mem>>) src(%arg11 : memref<80x128xf32, #tpu.memory_space<vmem>>) dst(%dma_wait3A_97 : memref<80x128xf32, #tpu.memory_space<vmem_shared>>)
    %dma_wait3A_98 = arith.constant 0 : i32
    %dma_wait3A_99 = tpu.memref_slice %arg12[%mul3A_4, %dma_wait3A_98] : memref<10240x128xf32, #tpu.memory_space<vmem_shared>> -> memref<80x128xf32, #tpu.memory_space<vmem_shared>>
    %dma_wait3A_100 = arith.constant 0 : i32
    %dma_wait3A_101 = tpu.memref_slice %arg12[%mul3A_4, %dma_wait3A_100] : memref<10240x128xf32, #tpu.memory_space<vmem_shared>> -> memref<80x128xf32, #tpu.memory_space<vmem_shared>>
    tpu.wait_dma2 semaphore(%arg16 : memref<!tpu.dma_semaphore, #tpu.memory_space<semaphore_mem>>) src(%arg11 : memref<80x128xf32, #tpu.memory_space<vmem>>) dst(%dma_wait3A_101 : memref<80x128xf32, #tpu.memory_space<vmem_shared>>)
    %dma_wait3A_102 = arith.constant 0 : i32
    %dma_wait3A_103 = tpu.memref_slice %arg12[%mul3A_4, %dma_wait3A_102] : memref<10240x128xf32, #tpu.memory_space<vmem_shared>> -> memref<80x128xf32, #tpu.memory_space<vmem_shared>>
    %dma_wait3A_104 = arith.constant 0 : i32
    %dma_wait3A_105 = tpu.memref_slice %arg12[%mul3A_4, %dma_wait3A_104] : memref<10240x128xf32, #tpu.memory_space<vmem_shared>> -> memref<80x128xf32, #tpu.memory_space<vmem_shared>>
    tpu.wait_dma2 semaphore(%arg16 : memref<!tpu.dma_semaphore, #tpu.memory_space<semaphore_mem>>) src(%arg11 : memref<80x128xf32, #tpu.memory_space<vmem>>) dst(%dma_wait3A_105 : memref<80x128xf32, #tpu.memory_space<vmem_shared>>)
    %dma_wait3A_106 = arith.constant 0 : i32
    %dma_wait3A_107 = tpu.memref_slice %arg12[%mul3A_4, %dma_wait3A_106] : memref<10240x128xf32, #tpu.memory_space<vmem_shared>> -> memref<80x128xf32, #tpu.memory_space<vmem_shared>>
    %dma_wait3A_108 = arith.constant 0 : i32
    %dma_wait3A_109 = tpu.memref_slice %arg12[%mul3A_4, %dma_wait3A_108] : memref<10240x128xf32, #tpu.memory_space<vmem_shared>> -> memref<80x128xf32, #tpu.memory_space<vmem_shared>>
    tpu.wait_dma2 semaphore(%arg16 : memref<!tpu.dma_semaphore, #tpu.memory_space<semaphore_mem>>) src(%arg11 : memref<80x128xf32, #tpu.memory_space<vmem>>) dst(%dma_wait3A_109 : memref<80x128xf32, #tpu.memory_space<vmem_shared>>)
    %dma_wait3A_110 = arith.constant 0 : i32
    %dma_wait3A_111 = tpu.memref_slice %arg12[%mul3A_4, %dma_wait3A_110] : memref<10240x128xf32, #tpu.memory_space<vmem_shared>> -> memref<80x128xf32, #tpu.memory_space<vmem_shared>>
    %dma_wait3A_112 = arith.constant 0 : i32
    %dma_wait3A_113 = tpu.memref_slice %arg12[%mul3A_4, %dma_wait3A_112] : memref<10240x128xf32, #tpu.memory_space<vmem_shared>> -> memref<80x128xf32, #tpu.memory_space<vmem_shared>>
    tpu.wait_dma2 semaphore(%arg16 : memref<!tpu.dma_semaphore, #tpu.memory_space<semaphore_mem>>) src(%arg11 : memref<80x128xf32, #tpu.memory_space<vmem>>) dst(%dma_wait3A_113 : memref<80x128xf32, #tpu.memory_space<vmem_shared>>)
    %dma_wait3A_114 = arith.constant 0 : i32
    %dma_wait3A_115 = tpu.memref_slice %arg12[%mul3A_4, %dma_wait3A_114] : memref<10240x128xf32, #tpu.memory_space<vmem_shared>> -> memref<80x128xf32, #tpu.memory_space<vmem_shared>>
    %dma_wait3A_116 = arith.constant 0 : i32
    %dma_wait3A_117 = tpu.memref_slice %arg12[%mul3A_4, %dma_wait3A_116] : memref<10240x128xf32, #tpu.memory_space<vmem_shared>> -> memref<80x128xf32, #tpu.memory_space<vmem_shared>>
    tpu.wait_dma2 semaphore(%arg16 : memref<!tpu.dma_semaphore, #tpu.memory_space<semaphore_mem>>) src(%arg11 : memref<80x128xf32, #tpu.memory_space<vmem>>) dst(%dma_wait3A_117 : memref<80x128xf32, #tpu.memory_space<vmem_shared>>)
    %dma_wait3A_118 = arith.constant 0 : i32
    %dma_wait3A_119 = tpu.memref_slice %arg12[%mul3A_4, %dma_wait3A_118] : memref<10240x128xf32, #tpu.memory_space<vmem_shared>> -> memref<80x128xf32, #tpu.memory_space<vmem_shared>>
    %dma_wait3A_120 = arith.constant 0 : i32
    %dma_wait3A_121 = tpu.memref_slice %arg12[%mul3A_4, %dma_wait3A_120] : memref<10240x128xf32, #tpu.memory_space<vmem_shared>> -> memref<80x128xf32, #tpu.memory_space<vmem_shared>>
    tpu.wait_dma2 semaphore(%arg16 : memref<!tpu.dma_semaphore, #tpu.memory_space<semaphore_mem>>) src(%arg11 : memref<80x128xf32, #tpu.memory_space<vmem>>) dst(%dma_wait3A_121 : memref<80x128xf32, #tpu.memory_space<vmem_shared>>)
    %dma_wait3A_122 = arith.constant 0 : i32
    %dma_wait3A_123 = tpu.memref_slice %arg12[%mul3A_4, %dma_wait3A_122] : memref<10240x128xf32, #tpu.memory_space<vmem_shared>> -> memref<80x128xf32, #tpu.memory_space<vmem_shared>>
    %dma_wait3A_124 = arith.constant 0 : i32
    %dma_wait3A_125 = tpu.memref_slice %arg12[%mul3A_4, %dma_wait3A_124] : memref<10240x128xf32, #tpu.memory_space<vmem_shared>> -> memref<80x128xf32, #tpu.memory_space<vmem_shared>>
    tpu.wait_dma2 semaphore(%arg16 : memref<!tpu.dma_semaphore, #tpu.memory_space<semaphore_mem>>) src(%arg11 : memref<80x128xf32, #tpu.memory_space<vmem>>) dst(%dma_wait3A_125 : memref<80x128xf32, #tpu.memory_space<vmem_shared>>)
    %barrier3A = arith.constant 0 : index
    tpu.barrier barrier_id(%barrier3A)
    %scan3A_126 = arith.constant 0 : i32
    %scan3A_127 = arith.constant 0 : i32
    %scan3A_128 = arith.constant 43 : i32
    %scan3A_129 = arith.addi %scan3A_127, %scan3A_128 : i32
    %scan3A_130 = arith.constant 1 : i32
    %scan3A_131 = scf.for %scan3A_143 = %scan3A_127 to %scan3A_129 step %scan3A_130 iter_args(%scan3A_144 = %scan3A_126) -> (i32)  : i32 {
      %mul3A_145 = arith.constant 3 : i32
      %mul3A_146 = arith.muli %mul3A_145, %scan3A_143 : i32
      %add3A_147 = arith.constant 0 : i32
      %add3A_148 = arith.addi %mul3A_146, %add3A_147 : i32
      %lt3A = arith.constant 125 : i32
      %lt3A_149 = arith.cmpi slt, %add3A_148, %lt3A : i32
      %convert_element_type3A = arith.extui %lt3A_149 : i1 to i32
      %cond3A = arith.constant 0 : i32
      %cond3A_150 = arith.cmpi ne, %convert_element_type3A, %cond3A : i32
      scf.if %cond3A_150 {
        %dma_wait3A_191 = arith.constant 0 : i32
        %dma_wait3A_192 = tpu.memref_slice %arg3[%dma_wait3A_191] : memref<640000xi32, #tpu.memory_space<hbm>> -> memref<80xi32, #tpu.memory_space<hbm>>
        %dma_wait3A_193 = arith.constant 0 : i32
        %dma_wait3A_194 = tpu.memref_slice %arg3[%dma_wait3A_193] : memref<640000xi32, #tpu.memory_space<hbm>> -> memref<80xi32, #tpu.memory_space<hbm>>
        tpu.wait_dma2 semaphore(%arg13 : memref<!tpu.dma_semaphore, #tpu.memory_space<semaphore_mem>>) src(%dma_wait3A_194 : memref<80xi32, #tpu.memory_space<hbm>>) dst(%arg6 : memref<80xi32, #tpu.memory_space<vmem>>)
        %dma_wait3A_195 = arith.constant 0 : i32
        %dma_wait3A_196 = tpu.memref_slice %arg5[%dma_wait3A_195] : memref<10000xi32, #tpu.memory_space<vmem>> -> memref<80xi32, #tpu.memory_space<vmem>>
        %dma_wait3A_197 = arith.constant 0 : i32
        %dma_wait3A_198 = arith.constant 0 : i32
        %dma_wait3A_199 = tpu.memref_slice %arg2[%dma_wait3A_197, %dma_wait3A_198] : memref<10000x128xf32, #tpu.memory_space<hbm>> -> memref<10000x128xf32, #tpu.memory_space<hbm>>
        tpu.wait_indirect_dma semaphore(%arg13 : memref<!tpu.dma_semaphore, #tpu.memory_space<semaphore_mem>>) src(%dma_wait3A_199 : memref<10000x128xf32, #tpu.memory_space<hbm>>) dst(%arg9 : memref<80x128xf32, #tpu.memory_space<vmem>>)
        %dma_start3A_200 = arith.constant 0 : i32
        %dma_start3A_201 = arith.constant 0 : i32
        %dma_start3A_202 = tpu.memref_slice %arg12[%dma_start3A_200, %dma_start3A_201] : memref<10240x128xf32, #tpu.memory_space<vmem_shared>> -> memref<10240x128xf32, #tpu.memory_space<vmem_shared>>
        tpu.enqueue_indirect_dma source(%arg9 : memref<80x128xf32, #tpu.memory_space<vmem>>) target(%dma_start3A_202 : memref<10240x128xf32, #tpu.memory_space<vmem_shared>>) offsets(%arg6 : memref<80xi32, #tpu.memory_space<vmem>>) semaphore(%arg16 : memref<!tpu.dma_semaphore, #tpu.memory_space<semaphore_mem>>) {add = true}
      } else {
      }
      %add3A_151 = arith.constant 2 : i32
      %add3A_152 = arith.addi %add3A_148, %add3A_151 : i32
      %lt3A_153 = arith.constant 125 : i32
      %lt3A_154 = arith.cmpi slt, %add3A_152, %lt3A_153 : i32
      %convert_element_type3A_155 = arith.extui %lt3A_154 : i1 to i32
      %cond3A_156 = arith.constant 0 : i32
      %cond3A_157 = arith.cmpi ne, %convert_element_type3A_155, %cond3A_156 : i32
      scf.if %cond3A_157 {
        %ge3A = arith.constant 1 : i32
        %ge3A_191 = arith.cmpi sge, %scan3A_143, %ge3A : i32
        %convert_element_type3A_192 = arith.extui %ge3A_191 : i1 to i32
        %cond3A_193 = arith.constant 0 : i32
        %cond3A_194 = arith.cmpi ne, %convert_element_type3A_192, %cond3A_193 : i32
        scf.if %cond3A_194 {
          %dma_wait3A_216 = arith.constant 0 : i32
          %dma_wait3A_217 = arith.constant 0 : i32
          %dma_wait3A_218 = tpu.memref_slice %arg12[%dma_wait3A_216, %dma_wait3A_217] : memref<10240x128xf32, #tpu.memory_space<vmem_shared>> -> memref<10240x128xf32, #tpu.memory_space<vmem_shared>>
          tpu.wait_indirect_dma semaphore(%arg18 : memref<!tpu.dma_semaphore, #tpu.memory_space<semaphore_mem>>) src(%arg11 : memref<80x128xf32, #tpu.memory_space<vmem>>) dst(%dma_wait3A_218 : memref<10240x128xf32, #tpu.memory_space<vmem_shared>>)
        } else {
        }
        %add3A_195 = arith.constant 2 : i32
        %add3A_196 = arith.addi %add3A_148, %add3A_195 : i32
        %mul3A_197 = arith.constant 10000 : i32
        %mul3A_198 = arith.muli %add3A, %mul3A_197 : i32
        %add3A_199 = arith.constant 320000 : i32
        %add3A_200 = arith.addi %add3A_199, %mul3A_198 : i32
        %mul3A_201 = arith.constant 80 : i32
        %mul3A_202 = arith.muli %add3A_196, %mul3A_201 : i32
        %add3A_203 = arith.addi %add3A_200, %mul3A_202 : i32
        %multiple_of3A_204 = tpu.assume_multiple %add3A_203, 8 : i32
        %dma_start3A_205 = tpu.memref_slice %arg3[%multiple_of3A_204] : memref<640000xi32, #tpu.memory_space<hbm>> -> memref<80xi32, #tpu.memory_space<hbm>>
        %dma_start3A_206 = tpu.memref_slice %arg3[%multiple_of3A_204] : memref<640000xi32, #tpu.memory_space<hbm>> -> memref<80xi32, #tpu.memory_space<hbm>>
        tpu.enqueue_dma source(%dma_start3A_206 : memref<80xi32, #tpu.memory_space<hbm>>) target(%arg8 : memref<80xi32, #tpu.memory_space<vmem>>) target_semaphore(%arg15 : memref<!tpu.dma_semaphore, #tpu.memory_space<semaphore_mem>>)
        %add3A_207 = arith.constant 2 : i32
        %add3A_208 = arith.addi %add3A_148, %add3A_207 : i32
        %mul3A_209 = arith.constant 80 : i32
        %mul3A_210 = arith.muli %add3A_208, %mul3A_209 : i32
        %multiple_of3A_211 = tpu.assume_multiple %mul3A_210, 8 : i32
        %dma_start3A_212 = tpu.memref_slice %arg5[%multiple_of3A_211] : memref<10000xi32, #tpu.memory_space<vmem>> -> memref<80xi32, #tpu.memory_space<vmem>>
        %dma_start3A_213 = arith.constant 0 : i32
        %dma_start3A_214 = arith.constant 0 : i32
        %dma_start3A_215 = tpu.memref_slice %arg2[%dma_start3A_213, %dma_start3A_214] : memref<10000x128xf32, #tpu.memory_space<hbm>> -> memref<10000x128xf32, #tpu.memory_space<hbm>>
        tpu.enqueue_indirect_dma source(%dma_start3A_215 : memref<10000x128xf32, #tpu.memory_space<hbm>>) target(%arg11 : memref<80x128xf32, #tpu.memory_space<vmem>>) offsets(%dma_start3A_212 : memref<80xi32, #tpu.memory_space<vmem>>) semaphore(%arg15 : memref<!tpu.dma_semaphore, #tpu.memory_space<semaphore_mem>>)
      } else {
      }
      %mul3A_158 = arith.constant 3 : i32
      %mul3A_159 = arith.muli %mul3A_158, %scan3A_143 : i32
      %add3A_160 = arith.constant 1 : i32
      %add3A_161 = arith.addi %mul3A_159, %add3A_160 : i32
      %lt3A_162 = arith.constant 125 : i32
      %lt3A_163 = arith.cmpi slt, %add3A_161, %lt3A_162 : i32
      %convert_element_type3A_164 = arith.extui %lt3A_163 : i1 to i32
      %cond3A_165 = arith.constant 0 : i32
      %cond3A_166 = arith.cmpi ne, %convert_element_type3A_164, %cond3A_165 : i32
      scf.if %cond3A_166 {
        %dma_wait3A_191 = arith.constant 0 : i32
        %dma_wait3A_192 = tpu.memref_slice %arg3[%dma_wait3A_191] : memref<640000xi32, #tpu.memory_space<hbm>> -> memref<80xi32, #tpu.memory_space<hbm>>
        %dma_wait3A_193 = arith.constant 0 : i32
        %dma_wait3A_194 = tpu.memref_slice %arg3[%dma_wait3A_193] : memref<640000xi32, #tpu.memory_space<hbm>> -> memref<80xi32, #tpu.memory_space<hbm>>
        tpu.wait_dma2 semaphore(%arg14 : memref<!tpu.dma_semaphore, #tpu.memory_space<semaphore_mem>>) src(%dma_wait3A_194 : memref<80xi32, #tpu.memory_space<hbm>>) dst(%arg7 : memref<80xi32, #tpu.memory_space<vmem>>)
        %dma_wait3A_195 = arith.constant 0 : i32
        %dma_wait3A_196 = tpu.memref_slice %arg5[%dma_wait3A_195] : memref<10000xi32, #tpu.memory_space<vmem>> -> memref<80xi32, #tpu.memory_space<vmem>>
        %dma_wait3A_197 = arith.constant 0 : i32
        %dma_wait3A_198 = arith.constant 0 : i32
        %dma_wait3A_199 = tpu.memref_slice %arg2[%dma_wait3A_197, %dma_wait3A_198] : memref<10000x128xf32, #tpu.memory_space<hbm>> -> memref<10000x128xf32, #tpu.memory_space<hbm>>
        tpu.wait_indirect_dma semaphore(%arg14 : memref<!tpu.dma_semaphore, #tpu.memory_space<semaphore_mem>>) src(%dma_wait3A_199 : memref<10000x128xf32, #tpu.memory_space<hbm>>) dst(%arg10 : memref<80x128xf32, #tpu.memory_space<vmem>>)
        %dma_start3A_200 = arith.constant 0 : i32
        %dma_start3A_201 = arith.constant 0 : i32
        %dma_start3A_202 = tpu.memref_slice %arg12[%dma_start3A_200, %dma_start3A_201] : memref<10240x128xf32, #tpu.memory_space<vmem_shared>> -> memref<10240x128xf32, #tpu.memory_space<vmem_shared>>
        tpu.enqueue_indirect_dma source(%arg10 : memref<80x128xf32, #tpu.memory_space<vmem>>) target(%dma_start3A_202 : memref<10240x128xf32, #tpu.memory_space<vmem_shared>>) offsets(%arg7 : memref<80xi32, #tpu.memory_space<vmem>>) semaphore(%arg17 : memref<!tpu.dma_semaphore, #tpu.memory_space<semaphore_mem>>) {add = true}
      } else {
      }
      %add3A_167 = arith.constant 2 : i32
      %add3A_168 = arith.addi %add3A_161, %add3A_167 : i32
      %lt3A_169 = arith.constant 125 : i32
      %lt3A_170 = arith.cmpi slt, %add3A_168, %lt3A_169 : i32
      %convert_element_type3A_171 = arith.extui %lt3A_170 : i1 to i32
      %cond3A_172 = arith.constant 0 : i32
      %cond3A_173 = arith.cmpi ne, %convert_element_type3A_171, %cond3A_172 : i32
      scf.if %cond3A_173 {
        %dma_wait3A_191 = arith.constant 0 : i32
        %dma_wait3A_192 = arith.constant 0 : i32
        %dma_wait3A_193 = tpu.memref_slice %arg12[%dma_wait3A_191, %dma_wait3A_192] : memref<10240x128xf32, #tpu.memory_space<vmem_shared>> -> memref<10240x128xf32, #tpu.memory_space<vmem_shared>>
        tpu.wait_indirect_dma semaphore(%arg16 : memref<!tpu.dma_semaphore, #tpu.memory_space<semaphore_mem>>) src(%arg9 : memref<80x128xf32, #tpu.memory_space<vmem>>) dst(%dma_wait3A_193 : memref<10240x128xf32, #tpu.memory_space<vmem_shared>>)
        %add3A_194 = arith.constant 2 : i32
        %add3A_195 = arith.addi %add3A_161, %add3A_194 : i32
        %mul3A_196 = arith.constant 10000 : i32
        %mul3A_197 = arith.muli %add3A, %mul3A_196 : i32
        %add3A_198 = arith.constant 320000 : i32
        %add3A_199 = arith.addi %add3A_198, %mul3A_197 : i32
        %mul3A_200 = arith.constant 80 : i32
        %mul3A_201 = arith.muli %add3A_195, %mul3A_200 : i32
        %add3A_202 = arith.addi %add3A_199, %mul3A_201 : i32
        %multiple_of3A_203 = tpu.assume_multiple %add3A_202, 8 : i32
        %dma_start3A_204 = tpu.memref_slice %arg3[%multiple_of3A_203] : memref<640000xi32, #tpu.memory_space<hbm>> -> memref<80xi32, #tpu.memory_space<hbm>>
        %dma_start3A_205 = tpu.memref_slice %arg3[%multiple_of3A_203] : memref<640000xi32, #tpu.memory_space<hbm>> -> memref<80xi32, #tpu.memory_space<hbm>>
        tpu.enqueue_dma source(%dma_start3A_205 : memref<80xi32, #tpu.memory_space<hbm>>) target(%arg6 : memref<80xi32, #tpu.memory_space<vmem>>) target_semaphore(%arg13 : memref<!tpu.dma_semaphore, #tpu.memory_space<semaphore_mem>>)
        %add3A_206 = arith.constant 2 : i32
        %add3A_207 = arith.addi %add3A_161, %add3A_206 : i32
        %mul3A_208 = arith.constant 80 : i32
        %mul3A_209 = arith.muli %add3A_207, %mul3A_208 : i32
        %multiple_of3A_210 = tpu.assume_multiple %mul3A_209, 8 : i32
        %dma_start3A_211 = tpu.memref_slice %arg5[%multiple_of3A_210] : memref<10000xi32, #tpu.memory_space<vmem>> -> memref<80xi32, #tpu.memory_space<vmem>>
        %dma_start3A_212 = arith.constant 0 : i32
        %dma_start3A_213 = arith.constant 0 : i32
        %dma_start3A_214 = tpu.memref_slice %arg2[%dma_start3A_212, %dma_start3A_213] : memref<10000x128xf32, #tpu.memory_space<hbm>> -> memref<10000x128xf32, #tpu.memory_space<hbm>>
        tpu.enqueue_indirect_dma source(%dma_start3A_214 : memref<10000x128xf32, #tpu.memory_space<hbm>>) target(%arg9 : memref<80x128xf32, #tpu.memory_space<vmem>>) offsets(%dma_start3A_211 : memref<80xi32, #tpu.memory_space<vmem>>) semaphore(%arg13 : memref<!tpu.dma_semaphore, #tpu.memory_space<semaphore_mem>>)
      } else {
      }
      %mul3A_174 = arith.constant 3 : i32
      %mul3A_175 = arith.muli %mul3A_174, %scan3A_143 : i32
      %add3A_176 = arith.constant 2 : i32
      %add3A_177 = arith.addi %mul3A_175, %add3A_176 : i32
      %lt3A_178 = arith.constant 125 : i32
      %lt3A_179 = arith.cmpi slt, %add3A_177, %lt3A_178 : i32
      %convert_element_type3A_180 = arith.extui %lt3A_179 : i1 to i32
      %cond3A_181 = arith.constant 0 : i32
      %cond3A_182 = arith.cmpi ne, %convert_element_type3A_180, %cond3A_181 : i32
      scf.if %cond3A_182 {
        %dma_wait3A_191 = arith.constant 0 : i32
        %dma_wait3A_192 = tpu.memref_slice %arg3[%dma_wait3A_191] : memref<640000xi32, #tpu.memory_space<hbm>> -> memref<80xi32, #tpu.memory_space<hbm>>
        %dma_wait3A_193 = arith.constant 0 : i32
        %dma_wait3A_194 = tpu.memref_slice %arg3[%dma_wait3A_193] : memref<640000xi32, #tpu.memory_space<hbm>> -> memref<80xi32, #tpu.memory_space<hbm>>
        tpu.wait_dma2 semaphore(%arg15 : memref<!tpu.dma_semaphore, #tpu.memory_space<semaphore_mem>>) src(%dma_wait3A_194 : memref<80xi32, #tpu.memory_space<hbm>>) dst(%arg8 : memref<80xi32, #tpu.memory_space<vmem>>)
        %dma_wait3A_195 = arith.constant 0 : i32
        %dma_wait3A_196 = tpu.memref_slice %arg5[%dma_wait3A_195] : memref<10000xi32, #tpu.memory_space<vmem>> -> memref<80xi32, #tpu.memory_space<vmem>>
        %dma_wait3A_197 = arith.constant 0 : i32
        %dma_wait3A_198 = arith.constant 0 : i32
        %dma_wait3A_199 = tpu.memref_slice %arg2[%dma_wait3A_197, %dma_wait3A_198] : memref<10000x128xf32, #tpu.memory_space<hbm>> -> memref<10000x128xf32, #tpu.memory_space<hbm>>
        tpu.wait_indirect_dma semaphore(%arg15 : memref<!tpu.dma_semaphore, #tpu.memory_space<semaphore_mem>>) src(%dma_wait3A_199 : memref<10000x128xf32, #tpu.memory_space<hbm>>) dst(%arg11 : memref<80x128xf32, #tpu.memory_space<vmem>>)
        %dma_start3A_200 = arith.constant 0 : i32
        %dma_start3A_201 = arith.constant 0 : i32
        %dma_start3A_202 = tpu.memref_slice %arg12[%dma_start3A_200, %dma_start3A_201] : memref<10240x128xf32, #tpu.memory_space<vmem_shared>> -> memref<10240x128xf32, #tpu.memory_space<vmem_shared>>
        tpu.enqueue_indirect_dma source(%arg11 : memref<80x128xf32, #tpu.memory_space<vmem>>) target(%dma_start3A_202 : memref<10240x128xf32, #tpu.memory_space<vmem_shared>>) offsets(%arg8 : memref<80xi32, #tpu.memory_space<vmem>>) semaphore(%arg18 : memref<!tpu.dma_semaphore, #tpu.memory_space<semaphore_mem>>) {add = true}
      } else {
      }
      %add3A_183 = arith.constant 2 : i32
      %add3A_184 = arith.addi %add3A_177, %add3A_183 : i32
      %lt3A_185 = arith.constant 125 : i32
      %lt3A_186 = arith.cmpi slt, %add3A_184, %lt3A_185 : i32
      %convert_element_type3A_187 = arith.extui %lt3A_186 : i1 to i32
      %cond3A_188 = arith.constant 0 : i32
      %cond3A_189 = arith.cmpi ne, %convert_element_type3A_187, %cond3A_188 : i32
      scf.if %cond3A_189 {
        %dma_wait3A_191 = arith.constant 0 : i32
        %dma_wait3A_192 = arith.constant 0 : i32
        %dma_wait3A_193 = tpu.memref_slice %arg12[%dma_wait3A_191, %dma_wait3A_192] : memref<10240x128xf32, #tpu.memory_space<vmem_shared>> -> memref<10240x128xf32, #tpu.memory_space<vmem_shared>>
        tpu.wait_indirect_dma semaphore(%arg17 : memref<!tpu.dma_semaphore, #tpu.memory_space<semaphore_mem>>) src(%arg10 : memref<80x128xf32, #tpu.memory_space<vmem>>) dst(%dma_wait3A_193 : memref<10240x128xf32, #tpu.memory_space<vmem_shared>>)
        %add3A_194 = arith.constant 2 : i32
        %add3A_195 = arith.addi %add3A_177, %add3A_194 : i32
        %mul3A_196 = arith.constant 10000 : i32
        %mul3A_197 = arith.muli %add3A, %mul3A_196 : i32
        %add3A_198 = arith.constant 320000 : i32
        %add3A_199 = arith.addi %add3A_198, %mul3A_197 : i32
        %mul3A_200 = arith.constant 80 : i32
        %mul3A_201 = arith.muli %add3A_195, %mul3A_200 : i32
        %add3A_202 = arith.addi %add3A_199, %mul3A_201 : i32
        %multiple_of3A_203 = tpu.assume_multiple %add3A_202, 8 : i32
        %dma_start3A_204 = tpu.memref_slice %arg3[%multiple_of3A_203] : memref<640000xi32, #tpu.memory_space<hbm>> -> memref<80xi32, #tpu.memory_space<hbm>>
        %dma_start3A_205 = tpu.memref_slice %arg3[%multiple_of3A_203] : memref<640000xi32, #tpu.memory_space<hbm>> -> memref<80xi32, #tpu.memory_space<hbm>>
        tpu.enqueue_dma source(%dma_start3A_205 : memref<80xi32, #tpu.memory_space<hbm>>) target(%arg7 : memref<80xi32, #tpu.memory_space<vmem>>) target_semaphore(%arg14 : memref<!tpu.dma_semaphore, #tpu.memory_space<semaphore_mem>>)
        %add3A_206 = arith.constant 2 : i32
        %add3A_207 = arith.addi %add3A_177, %add3A_206 : i32
        %mul3A_208 = arith.constant 80 : i32
        %mul3A_209 = arith.muli %add3A_207, %mul3A_208 : i32
        %multiple_of3A_210 = tpu.assume_multiple %mul3A_209, 8 : i32
        %dma_start3A_211 = tpu.memref_slice %arg5[%multiple_of3A_210] : memref<10000xi32, #tpu.memory_space<vmem>> -> memref<80xi32, #tpu.memory_space<vmem>>
        %dma_start3A_212 = arith.constant 0 : i32
        %dma_start3A_213 = arith.constant 0 : i32
        %dma_start3A_214 = tpu.memref_slice %arg2[%dma_start3A_212, %dma_start3A_213] : memref<10000x128xf32, #tpu.memory_space<hbm>> -> memref<10000x128xf32, #tpu.memory_space<hbm>>
        tpu.enqueue_indirect_dma source(%dma_start3A_214 : memref<10000x128xf32, #tpu.memory_space<hbm>>) target(%arg10 : memref<80x128xf32, #tpu.memory_space<vmem>>) offsets(%dma_start3A_211 : memref<80xi32, #tpu.memory_space<vmem>>) semaphore(%arg14 : memref<!tpu.dma_semaphore, #tpu.memory_space<semaphore_mem>>)
      } else {
      }
      %scan3A_190 = arith.constant 0 : i32
      scf.yield %scan3A_190 : i32
    }
    %scan3A_132 = arith.constant 43 : i32
    %dma_wait3A_133 = arith.constant 0 : i32
    %dma_wait3A_134 = arith.constant 0 : i32
    %dma_wait3A_135 = tpu.memref_slice %arg12[%dma_wait3A_133, %dma_wait3A_134] : memref<10240x128xf32, #tpu.memory_space<vmem_shared>> -> memref<10240x128xf32, #tpu.memory_space<vmem_shared>>
    tpu.wait_indirect_dma semaphore(%arg16 : memref<!tpu.dma_semaphore, #tpu.memory_space<semaphore_mem>>) src(%arg9 : memref<80x128xf32, #tpu.memory_space<vmem>>) dst(%dma_wait3A_135 : memref<10240x128xf32, #tpu.memory_space<vmem_shared>>)
    %dma_wait3A_136 = arith.constant 0 : i32
    %dma_wait3A_137 = arith.constant 0 : i32
    %dma_wait3A_138 = tpu.memref_slice %arg12[%dma_wait3A_136, %dma_wait3A_137] : memref<10240x128xf32, #tpu.memory_space<vmem_shared>> -> memref<10240x128xf32, #tpu.memory_space<vmem_shared>>
    tpu.wait_indirect_dma semaphore(%arg17 : memref<!tpu.dma_semaphore, #tpu.memory_space<semaphore_mem>>) src(%arg10 : memref<80x128xf32, #tpu.memory_space<vmem>>) dst(%dma_wait3A_138 : memref<10240x128xf32, #tpu.memory_space<vmem_shared>>)
    %dma_wait3A_139 = arith.constant 0 : i32
    %dma_wait3A_140 = arith.constant 0 : i32
    %dma_wait3A_141 = tpu.memref_slice %arg12[%dma_wait3A_139, %dma_wait3A_140] : memref<10240x128xf32, #tpu.memory_space<vmem_shared>> -> memref<10240x128xf32, #tpu.memory_space<vmem_shared>>
    tpu.wait_indirect_dma semaphore(%arg18 : memref<!tpu.dma_semaphore, #tpu.memory_space<semaphore_mem>>) src(%arg11 : memref<80x128xf32, #tpu.memory_space<vmem>>) dst(%dma_wait3A_141 : memref<10240x128xf32, #tpu.memory_space<vmem_shared>>)
    %barrier3A_142 = arith.constant 0 : index
    tpu.barrier barrier_id(%barrier3A_142)
    "tpu.region"() ({
      %run_scoped3A = tpu.sem_alloc : memref<!tpu.dma_semaphore, #tpu.memory_space<semaphore_mem>>
      %dma_start3A_143 = arith.constant 0 : i32
      %dma_start3A_144 = tpu.memref_slice %arg4[%arg0, %mul3A_4, %dma_start3A_143] : memref<2x10240x128xf32, #tpu.memory_space<hbm>> -> memref<1x640x128xf32, #tpu.memory_space<hbm>>
      %dma_start3A_145 = tpu.memref_squeeze %dma_start3A_144 : memref<1x640x128xf32, #tpu.memory_space<hbm>> -> memref<640x128xf32, #tpu.memory_space<hbm>>
      %dma_start3A_146 = arith.constant 0 : i32
      %dma_start3A_147 = tpu.memref_slice %arg12[%mul3A_4, %dma_start3A_146] : memref<10240x128xf32, #tpu.memory_space<vmem_shared>> -> memref<640x128xf32, #tpu.memory_space<vmem_shared>>
      tpu.enqueue_dma source(%dma_start3A_147 : memref<640x128xf32, #tpu.memory_space<vmem_shared>>) target(%dma_start3A_145 : memref<640x128xf32, #tpu.memory_space<hbm>>) target_semaphore(%run_scoped3A : memref<!tpu.dma_semaphore, #tpu.memory_space<semaphore_mem>>)
      %dma_wait3A_148 = arith.constant 0 : i32
      %dma_wait3A_149 = tpu.memref_slice %arg4[%arg0, %mul3A_4, %dma_wait3A_148] : memref<2x10240x128xf32, #tpu.memory_space<hbm>> -> memref<1x640x128xf32, #tpu.memory_space<hbm>>
      %dma_wait3A_150 = tpu.memref_squeeze %dma_wait3A_149 : memref<1x640x128xf32, #tpu.memory_space<hbm>> -> memref<640x128xf32, #tpu.memory_space<hbm>>
      %dma_wait3A_151 = arith.constant 0 : i32
      %dma_wait3A_152 = tpu.memref_slice %arg12[%mul3A_4, %dma_wait3A_151] : memref<10240x128xf32, #tpu.memory_space<vmem_shared>> -> memref<640x128xf32, #tpu.memory_space<vmem_shared>>
      tpu.wait_dma2 semaphore(%run_scoped3A : memref<!tpu.dma_semaphore, #tpu.memory_space<semaphore_mem>>) src(%dma_wait3A_152 : memref<640x128xf32, #tpu.memory_space<vmem_shared>>) dst(%dma_wait3A_150 : memref<640x128xf32, #tpu.memory_space<hbm>>)
      tpu.yield
    }) : () -> ()
    return
  }
}

#map = affine_map<(d0, d1) -> (0, 0)>
#map1 = affine_map<(d0, d1) -> (0)>
#map2 = affine_map<(d0, d1) -> (0, 0, 0)>
module attributes {stable_mosaic.version = 14 : i64} {
  func.func @sc_segsum_cnt(%arg0: i32, %arg1: i32, %arg2: memref<10000x128xf32, #tpu.memory_space<hbm>>, %arg3: memref<640000xi32, #tpu.memory_space<hbm>>, %arg4: memref<2x10240x128xf32, #tpu.memory_space<hbm>>, %arg5: memref<2x10240xf32, #tpu.memory_space<hbm>>, %arg6: memref<10000xi32, #tpu.memory_space<vmem>>, %arg7: memref<80xi32, #tpu.memory_space<vmem>>, %arg8: memref<80xi32, #tpu.memory_space<vmem>>, %arg9: memref<80xi32, #tpu.memory_space<vmem>>, %arg10: memref<80x128xf32, #tpu.memory_space<vmem>>, %arg11: memref<80x128xf32, #tpu.memory_space<vmem>>, %arg12: memref<80x128xf32, #tpu.memory_space<vmem>>, %arg13: memref<10240x128xf32, #tpu.memory_space<vmem_shared>>, %arg14: memref<!tpu.dma_semaphore, #tpu.memory_space<semaphore_mem>>, %arg15: memref<!tpu.dma_semaphore, #tpu.memory_space<semaphore_mem>>, %arg16: memref<!tpu.dma_semaphore, #tpu.memory_space<semaphore_mem>>, %arg17: memref<!tpu.dma_semaphore, #tpu.memory_space<semaphore_mem>>, %arg18: memref<!tpu.dma_semaphore, #tpu.memory_space<semaphore_mem>>, %arg19: memref<!tpu.dma_semaphore, #tpu.memory_space<semaphore_mem>>, %arg20: memref<80xf32, #tpu.memory_space<vmem>>, %arg21: memref<640xf32, #tpu.memory_space<vmem>>, %arg22: memref<10240xf32, #tpu.memory_space<vmem_shared>>, %arg23: memref<!tpu.dma_semaphore, #tpu.memory_space<semaphore_mem>>, %arg24: memref<!tpu.dma_semaphore, #tpu.memory_space<semaphore_mem>>, %arg25: memref<!tpu.dma_semaphore, #tpu.memory_space<semaphore_mem>>) attributes {dimension_semantics = [#tpu.dimension_semantics<core_parallel>, #tpu.dimension_semantics<subcore_parallel>], iteration_bounds = array<i64: 2, 16>, scalar_prefetch = 0 : i64, scratch_operands = 20 : i64, tpu.core_type = #tpu.core_type<sc_vector_subcore>, window_params = [{transform_indices = #map}, {transform_indices = #map1}, {transform_indices = #map2}, {transform_indices = #map}]} {
    %mul3A = arith.constant 16 : i32
    %mul3A_0 = arith.muli %arg0, %mul3A : i32
    %add3A = arith.addi %mul3A_0, %arg1 : i32
    %mul3A_1 = arith.constant 10000 : i32
    %mul3A_2 = arith.muli %add3A, %mul3A_1 : i32
    %multiple_of3A = tpu.assume_multiple %mul3A_2, 8 : i32
    %mul3A_3 = arith.constant 640 : i32
    %mul3A_4 = arith.muli %arg1, %mul3A_3 : i32
    %broadcast_in_dim3A = arith.constant 0.000000e+00 : f32
    %broadcast_in_dim3A_5 = vector.broadcast %broadcast_in_dim3A : f32 to vector<16xf32>
    %dma_start3A = tpu.memref_slice %arg3[%multiple_of3A] : memref<640000xi32, #tpu.memory_space<hbm>> -> memref<10000xi32, #tpu.memory_space<hbm>>
    %dma_start3A_6 = tpu.memref_slice %arg3[%multiple_of3A] : memref<640000xi32, #tpu.memory_space<hbm>> -> memref<10000xi32, #tpu.memory_space<hbm>>
    tpu.enqueue_dma source(%dma_start3A_6 : memref<10000xi32, #tpu.memory_space<hbm>>) target(%arg6 : memref<10000xi32, #tpu.memory_space<vmem>>) target_semaphore(%arg14 : memref<!tpu.dma_semaphore, #tpu.memory_space<semaphore_mem>>)
    %scan3A = arith.constant 0 : i32
    %scan3A_7 = arith.constant 0 : i32
    %scan3A_8 = arith.constant 80 : i32
    %scan3A_9 = arith.addi %scan3A_7, %scan3A_8 : i32
    %scan3A_10 = arith.constant 1 : i32
    %scan3A_11 = scf.for %scan3A_163 = %scan3A_7 to %scan3A_9 step %scan3A_10 iter_args(%scan3A_164 = %scan3A) -> (i32)  : i32 {
      %swap3A = arith.index_cast %scan3A_163 : i32 to index
      %swap3A_165 = arith.constant 0 : index
      %swap3A_166 = tpu.vector_load %arg12[%swap3A, %swap3A_165] {strides = array<i32>} : memref<80x128xf32, #tpu.memory_space<vmem>>, vector<1x16xf32>,
      %swap3A_167 = vector.shape_cast %swap3A_166 : vector<1x16xf32> to vector<16xf32>
      %swap3A_168 = vector.shape_cast %broadcast_in_dim3A_5 : vector<16xf32> to vector<1x16xf32>
      tpu.vector_store %arg12[%swap3A, %swap3A_165], %swap3A_168 {strides = array<i32>} : memref<80x128xf32, #tpu.memory_space<vmem>>, vector<1x16xf32>,
      %swap3A_169 = arith.index_cast %scan3A_163 : i32 to index
      %swap3A_170 = arith.constant 16 : index
      %swap3A_171 = tpu.vector_load %arg12[%swap3A_169, %swap3A_170] {strides = array<i32>} : memref<80x128xf32, #tpu.memory_space<vmem>>, vector<1x16xf32>,
      %swap3A_172 = vector.shape_cast %swap3A_171 : vector<1x16xf32> to vector<16xf32>
      %swap3A_173 = vector.shape_cast %broadcast_in_dim3A_5 : vector<16xf32> to vector<1x16xf32>
      tpu.vector_store %arg12[%swap3A_169, %swap3A_170], %swap3A_173 {strides = array<i32>} : memref<80x128xf32, #tpu.memory_space<vmem>>, vector<1x16xf32>,
      %swap3A_174 = arith.index_cast %scan3A_163 : i32 to index
      %swap3A_175 = arith.constant 32 : index
      %swap3A_176 = tpu.vector_load %arg12[%swap3A_174, %swap3A_175] {strides = array<i32>} : memref<80x128xf32, #tpu.memory_space<vmem>>, vector<1x16xf32>,
      %swap3A_177 = vector.shape_cast %swap3A_176 : vector<1x16xf32> to vector<16xf32>
      %swap3A_178 = vector.shape_cast %broadcast_in_dim3A_5 : vector<16xf32> to vector<1x16xf32>
      tpu.vector_store %arg12[%swap3A_174, %swap3A_175], %swap3A_178 {strides = array<i32>} : memref<80x128xf32, #tpu.memory_space<vmem>>, vector<1x16xf32>,
      %swap3A_179 = arith.index_cast %scan3A_163 : i32 to index
      %swap3A_180 = arith.constant 48 : index
      %swap3A_181 = tpu.vector_load %arg12[%swap3A_179, %swap3A_180] {strides = array<i32>} : memref<80x128xf32, #tpu.memory_space<vmem>>, vector<1x16xf32>,
      %swap3A_182 = vector.shape_cast %swap3A_181 : vector<1x16xf32> to vector<16xf32>
      %swap3A_183 = vector.shape_cast %broadcast_in_dim3A_5 : vector<16xf32> to vector<1x16xf32>
      tpu.vector_store %arg12[%swap3A_179, %swap3A_180], %swap3A_183 {strides = array<i32>} : memref<80x128xf32, #tpu.memory_space<vmem>>, vector<1x16xf32>,
      %swap3A_184 = arith.index_cast %scan3A_163 : i32 to index
      %swap3A_185 = arith.constant 64 : index
      %swap3A_186 = tpu.vector_load %arg12[%swap3A_184, %swap3A_185] {strides = array<i32>} : memref<80x128xf32, #tpu.memory_space<vmem>>, vector<1x16xf32>,
      %swap3A_187 = vector.shape_cast %swap3A_186 : vector<1x16xf32> to vector<16xf32>
      %swap3A_188 = vector.shape_cast %broadcast_in_dim3A_5 : vector<16xf32> to vector<1x16xf32>
      tpu.vector_store %arg12[%swap3A_184, %swap3A_185], %swap3A_188 {strides = array<i32>} : memref<80x128xf32, #tpu.memory_space<vmem>>, vector<1x16xf32>,
      %swap3A_189 = arith.index_cast %scan3A_163 : i32 to index
      %swap3A_190 = arith.constant 80 : index
      %swap3A_191 = tpu.vector_load %arg12[%swap3A_189, %swap3A_190] {strides = array<i32>} : memref<80x128xf32, #tpu.memory_space<vmem>>, vector<1x16xf32>,
      %swap3A_192 = vector.shape_cast %swap3A_191 : vector<1x16xf32> to vector<16xf32>
      %swap3A_193 = vector.shape_cast %broadcast_in_dim3A_5 : vector<16xf32> to vector<1x16xf32>
      tpu.vector_store %arg12[%swap3A_189, %swap3A_190], %swap3A_193 {strides = array<i32>} : memref<80x128xf32, #tpu.memory_space<vmem>>, vector<1x16xf32>,
      %swap3A_194 = arith.index_cast %scan3A_163 : i32 to index
      %swap3A_195 = arith.constant 96 : index
      %swap3A_196 = tpu.vector_load %arg12[%swap3A_194, %swap3A_195] {strides = array<i32>} : memref<80x128xf32, #tpu.memory_space<vmem>>, vector<1x16xf32>,
      %swap3A_197 = vector.shape_cast %swap3A_196 : vector<1x16xf32> to vector<16xf32>
      %swap3A_198 = vector.shape_cast %broadcast_in_dim3A_5 : vector<16xf32> to vector<1x16xf32>
      tpu.vector_store %arg12[%swap3A_194, %swap3A_195], %swap3A_198 {strides = array<i32>} : memref<80x128xf32, #tpu.memory_space<vmem>>, vector<1x16xf32>,
      %swap3A_199 = arith.index_cast %scan3A_163 : i32 to index
      %swap3A_200 = arith.constant 112 : index
      %swap3A_201 = tpu.vector_load %arg12[%swap3A_199, %swap3A_200] {strides = array<i32>} : memref<80x128xf32, #tpu.memory_space<vmem>>, vector<1x16xf32>,
      %swap3A_202 = vector.shape_cast %swap3A_201 : vector<1x16xf32> to vector<16xf32>
      %swap3A_203 = vector.shape_cast %broadcast_in_dim3A_5 : vector<16xf32> to vector<1x16xf32>
      tpu.vector_store %arg12[%swap3A_199, %swap3A_200], %swap3A_203 {strides = array<i32>} : memref<80x128xf32, #tpu.memory_space<vmem>>, vector<1x16xf32>,
      %scan3A_204 = arith.constant 0 : i32
      scf.yield %scan3A_204 : i32
    }
    %scan3A_12 = arith.constant 80 : i32
    %scan3A_13 = arith.constant 0 : i32
    %scan3A_14 = arith.constant 0 : i32
    %scan3A_15 = arith.constant 5 : i32
    %scan3A_16 = arith.addi %scan3A_14, %scan3A_15 : i32
    %scan3A_17 = arith.constant 1 : i32
    %scan3A_18 = scf.for %scan3A_163 = %scan3A_14 to %scan3A_16 step %scan3A_17 iter_args(%scan3A_164 = %scan3A_13) -> (i32)  : i32 {
      %add3A_165 = arith.constant 1.000000e+00 : f32
      %add3A_166 = vector.broadcast %add3A_165 : f32 to vector<16xf32>
      %add3A_167 = arith.addf %broadcast_in_dim3A_5, %add3A_166 : vector<16xf32>
      %mul3A_168 = arith.constant 16 : i32
      %mul3A_169 = arith.muli %scan3A_163, %mul3A_168 : i32
      %swap3A = arith.index_cast %mul3A_169 : i32 to index
      %swap3A_170 = tpu.vector_load %arg20[%swap3A] {strides = array<i32>} : memref<80xf32, #tpu.memory_space<vmem>>, vector<16xf32>,
      %swap3A_171 = vector.shape_cast %swap3A_170 : vector<16xf32> to vector<16xf32>
      %swap3A_172 = vector.shape_cast %add3A_167 : vector<16xf32> to vector<16xf32>
      tpu.vector_store %arg20[%swap3A], %swap3A_172 {strides = array<i32>} : memref<80xf32, #tpu.memory_space<vmem>>, vector<16xf32>,
      %scan3A_173 = arith.constant 0 : i32
      scf.yield %scan3A_173 : i32
    }
    %scan3A_19 = arith.constant 5 : i32
    %scan3A_20 = arith.constant 0 : i32
    %scan3A_21 = arith.constant 0 : i32
    %scan3A_22 = arith.constant 40 : i32
    %scan3A_23 = arith.addi %scan3A_21, %scan3A_22 : i32
    %scan3A_24 = arith.constant 1 : i32
    %scan3A_25 = scf.for %scan3A_163 = %scan3A_21 to %scan3A_23 step %scan3A_24 iter_args(%scan3A_164 = %scan3A_20) -> (i32)  : i32 {
      %mul3A_165 = arith.constant 16 : i32
      %mul3A_166 = arith.muli %scan3A_163, %mul3A_165 : i32
      %swap3A = arith.index_cast %mul3A_166 : i32 to index
      %swap3A_167 = tpu.vector_load %arg21[%swap3A] {strides = array<i32>} : memref<640xf32, #tpu.memory_space<vmem>>, vector<16xf32>,
      %swap3A_168 = vector.shape_cast %swap3A_167 : vector<16xf32> to vector<16xf32>
      %swap3A_169 = vector.shape_cast %broadcast_in_dim3A_5 : vector<16xf32> to vector<16xf32>
      tpu.vector_store %arg21[%swap3A], %swap3A_169 {strides = array<i32>} : memref<640xf32, #tpu.memory_space<vmem>>, vector<16xf32>,
      %scan3A_170 = arith.constant 0 : i32
      scf.yield %scan3A_170 : i32
    }
    %scan3A_26 = arith.constant 40 : i32
    %dma_wait3A = arith.constant 0 : i32
    %dma_wait3A_27 = tpu.memref_slice %arg3[%dma_wait3A] : memref<640000xi32, #tpu.memory_space<hbm>> -> memref<10000xi32, #tpu.memory_space<hbm>>
    %dma_wait3A_28 = arith.constant 0 : i32
    %dma_wait3A_29 = tpu.memref_slice %arg3[%dma_wait3A_28] : memref<640000xi32, #tpu.memory_space<hbm>> -> memref<10000xi32, #tpu.memory_space<hbm>>
    tpu.wait_dma2 semaphore(%arg14 : memref<!tpu.dma_semaphore, #tpu.memory_space<semaphore_mem>>) src(%dma_wait3A_29 : memref<10000xi32, #tpu.memory_space<hbm>>) dst(%arg6 : memref<10000xi32, #tpu.memory_space<vmem>>)
    %mul3A_30 = arith.constant 10000 : i32
    %mul3A_31 = arith.muli %add3A, %mul3A_30 : i32
    %add3A_32 = arith.constant 320000 : i32
    %add3A_33 = arith.addi %add3A_32, %mul3A_31 : i32
    %add3A_34 = arith.constant 0 : i32
    %add3A_35 = arith.addi %add3A_33, %add3A_34 : i32
    %multiple_of3A_36 = tpu.assume_multiple %add3A_35, 8 : i32
    %dma_start3A_37 = tpu.memref_slice %arg3[%multiple_of3A_36] : memref<640000xi32, #tpu.memory_space<hbm>> -> memref<80xi32, #tpu.memory_space<hbm>>
    %dma_start3A_38 = tpu.memref_slice %arg3[%multiple_of3A_36] : memref<640000xi32, #tpu.memory_space<hbm>> -> memref<80xi32, #tpu.memory_space<hbm>>
    tpu.enqueue_dma source(%dma_start3A_38 : memref<80xi32, #tpu.memory_space<hbm>>) target(%arg7 : memref<80xi32, #tpu.memory_space<vmem>>) target_semaphore(%arg14 : memref<!tpu.dma_semaphore, #tpu.memory_space<semaphore_mem>>)
    %multiple_of3A_39 = arith.constant 0 : i32
    %multiple_of3A_40 = tpu.assume_multiple %multiple_of3A_39, 8 : i32
    %dma_start3A_41 = tpu.memref_slice %arg6[%multiple_of3A_40] : memref<10000xi32, #tpu.memory_space<vmem>> -> memref<80xi32, #tpu.memory_space<vmem>>
    %dma_start3A_42 = arith.constant 0 : i32
    %dma_start3A_43 = arith.constant 0 : i32
    %dma_start3A_44 = tpu.memref_slice %arg2[%dma_start3A_42, %dma_start3A_43] : memref<10000x128xf32, #tpu.memory_space<hbm>> -> memref<10000x128xf32, #tpu.memory_space<hbm>>
    tpu.enqueue_indirect_dma source(%dma_start3A_44 : memref<10000x128xf32, #tpu.memory_space<hbm>>) target(%arg10 : memref<80x128xf32, #tpu.memory_space<vmem>>) offsets(%dma_start3A_41 : memref<80xi32, #tpu.memory_space<vmem>>) semaphore(%arg14 : memref<!tpu.dma_semaphore, #tpu.memory_space<semaphore_mem>>)
    %mul3A_45 = arith.constant 10000 : i32
    %mul3A_46 = arith.muli %add3A, %mul3A_45 : i32
    %add3A_47 = arith.constant 320000 : i32
    %add3A_48 = arith.addi %add3A_47, %mul3A_46 : i32
    %add3A_49 = arith.constant 80 : i32
    %add3A_50 = arith.addi %add3A_48, %add3A_49 : i32
    %multiple_of3A_51 = tpu.assume_multiple %add3A_50, 8 : i32
    %dma_start3A_52 = tpu.memref_slice %arg3[%multiple_of3A_51] : memref<640000xi32, #tpu.memory_space<hbm>> -> memref<80xi32, #tpu.memory_space<hbm>>
    %dma_start3A_53 = tpu.memref_slice %arg3[%multiple_of3A_51] : memref<640000xi32, #tpu.memory_space<hbm>> -> memref<80xi32, #tpu.memory_space<hbm>>
    tpu.enqueue_dma source(%dma_start3A_53 : memref<80xi32, #tpu.memory_space<hbm>>) target(%arg8 : memref<80xi32, #tpu.memory_space<vmem>>) target_semaphore(%arg15 : memref<!tpu.dma_semaphore, #tpu.memory_space<semaphore_mem>>)
    %multiple_of3A_54 = arith.constant 80 : i32
    %multiple_of3A_55 = tpu.assume_multiple %multiple_of3A_54, 8 : i32
    %dma_start3A_56 = tpu.memref_slice %arg6[%multiple_of3A_55] : memref<10000xi32, #tpu.memory_space<vmem>> -> memref<80xi32, #tpu.memory_space<vmem>>
    %dma_start3A_57 = arith.constant 0 : i32
    %dma_start3A_58 = arith.constant 0 : i32
    %dma_start3A_59 = tpu.memref_slice %arg2[%dma_start3A_57, %dma_start3A_58] : memref<10000x128xf32, #tpu.memory_space<hbm>> -> memref<10000x128xf32, #tpu.memory_space<hbm>>
    tpu.enqueue_indirect_dma source(%dma_start3A_59 : memref<10000x128xf32, #tpu.memory_space<hbm>>) target(%arg11 : memref<80x128xf32, #tpu.memory_space<vmem>>) offsets(%dma_start3A_56 : memref<80xi32, #tpu.memory_space<vmem>>) semaphore(%arg15 : memref<!tpu.dma_semaphore, #tpu.memory_space<semaphore_mem>>)
    %add3A_60 = arith.constant 0 : i32
    %add3A_61 = arith.addi %mul3A_4, %add3A_60 : i32
    %dma_start3A_62 = arith.constant 0 : i32
    %dma_start3A_63 = tpu.memref_slice %arg13[%add3A_61, %dma_start3A_62] : memref<10240x128xf32, #tpu.memory_space<vmem_shared>> -> memref<80x128xf32, #tpu.memory_space<vmem_shared>>
    %dma_start3A_64 = arith.constant 0 : i32
    %dma_start3A_65 = tpu.memref_slice %arg13[%add3A_61, %dma_start3A_64] : memref<10240x128xf32, #tpu.memory_space<vmem_shared>> -> memref<80x128xf32, #tpu.memory_space<vmem_shared>>
    tpu.enqueue_dma source(%arg12 : memref<80x128xf32, #tpu.memory_space<vmem>>) target(%dma_start3A_65 : memref<80x128xf32, #tpu.memory_space<vmem_shared>>) target_semaphore(%arg17 : memref<!tpu.dma_semaphore, #tpu.memory_space<semaphore_mem>>)
    %add3A_66 = arith.constant 80 : i32
    %add3A_67 = arith.addi %mul3A_4, %add3A_66 : i32
    %dma_start3A_68 = arith.constant 0 : i32
    %dma_start3A_69 = tpu.memref_slice %arg13[%add3A_67, %dma_start3A_68] : memref<10240x128xf32, #tpu.memory_space<vmem_shared>> -> memref<80x128xf32, #tpu.memory_space<vmem_shared>>
    %dma_start3A_70 = arith.constant 0 : i32
    %dma_start3A_71 = tpu.memref_slice %arg13[%add3A_67, %dma_start3A_70] : memref<10240x128xf32, #tpu.memory_space<vmem_shared>> -> memref<80x128xf32, #tpu.memory_space<vmem_shared>>
    tpu.enqueue_dma source(%arg12 : memref<80x128xf32, #tpu.memory_space<vmem>>) target(%dma_start3A_71 : memref<80x128xf32, #tpu.memory_space<vmem_shared>>) target_semaphore(%arg17 : memref<!tpu.dma_semaphore, #tpu.memory_space<semaphore_mem>>)
    %add3A_72 = arith.constant 160 : i32
    %add3A_73 = arith.addi %mul3A_4, %add3A_72 : i32
    %dma_start3A_74 = arith.constant 0 : i32
    %dma_start3A_75 = tpu.memref_slice %arg13[%add3A_73, %dma_start3A_74] : memref<10240x128xf32, #tpu.memory_space<vmem_shared>> -> memref<80x128xf32, #tpu.memory_space<vmem_shared>>
    %dma_start3A_76 = arith.constant 0 : i32
    %dma_start3A_77 = tpu.memref_slice %arg13[%add3A_73, %dma_start3A_76] : memref<10240x128xf32, #tpu.memory_space<vmem_shared>> -> memref<80x128xf32, #tpu.memory_space<vmem_shared>>
    tpu.enqueue_dma source(%arg12 : memref<80x128xf32, #tpu.memory_space<vmem>>) target(%dma_start3A_77 : memref<80x128xf32, #tpu.memory_space<vmem_shared>>) target_semaphore(%arg17 : memref<!tpu.dma_semaphore, #tpu.memory_space<semaphore_mem>>)
    %add3A_78 = arith.constant 240 : i32
    %add3A_79 = arith.addi %mul3A_4, %add3A_78 : i32
    %dma_start3A_80 = arith.constant 0 : i32
    %dma_start3A_81 = tpu.memref_slice %arg13[%add3A_79, %dma_start3A_80] : memref<10240x128xf32, #tpu.memory_space<vmem_shared>> -> memref<80x128xf32, #tpu.memory_space<vmem_shared>>
    %dma_start3A_82 = arith.constant 0 : i32
    %dma_start3A_83 = tpu.memref_slice %arg13[%add3A_79, %dma_start3A_82] : memref<10240x128xf32, #tpu.memory_space<vmem_shared>> -> memref<80x128xf32, #tpu.memory_space<vmem_shared>>
    tpu.enqueue_dma source(%arg12 : memref<80x128xf32, #tpu.memory_space<vmem>>) target(%dma_start3A_83 : memref<80x128xf32, #tpu.memory_space<vmem_shared>>) target_semaphore(%arg17 : memref<!tpu.dma_semaphore, #tpu.memory_space<semaphore_mem>>)
    %add3A_84 = arith.constant 320 : i32
    %add3A_85 = arith.addi %mul3A_4, %add3A_84 : i32
    %dma_start3A_86 = arith.constant 0 : i32
    %dma_start3A_87 = tpu.memref_slice %arg13[%add3A_85, %dma_start3A_86] : memref<10240x128xf32, #tpu.memory_space<vmem_shared>> -> memref<80x128xf32, #tpu.memory_space<vmem_shared>>
    %dma_start3A_88 = arith.constant 0 : i32
    %dma_start3A_89 = tpu.memref_slice %arg13[%add3A_85, %dma_start3A_88] : memref<10240x128xf32, #tpu.memory_space<vmem_shared>> -> memref<80x128xf32, #tpu.memory_space<vmem_shared>>
    tpu.enqueue_dma source(%arg12 : memref<80x128xf32, #tpu.memory_space<vmem>>) target(%dma_start3A_89 : memref<80x128xf32, #tpu.memory_space<vmem_shared>>) target_semaphore(%arg17 : memref<!tpu.dma_semaphore, #tpu.memory_space<semaphore_mem>>)
    %add3A_90 = arith.constant 400 : i32
    %add3A_91 = arith.addi %mul3A_4, %add3A_90 : i32
    %dma_start3A_92 = arith.constant 0 : i32
    %dma_start3A_93 = tpu.memref_slice %arg13[%add3A_91, %dma_start3A_92] : memref<10240x128xf32, #tpu.memory_space<vmem_shared>> -> memref<80x128xf32, #tpu.memory_space<vmem_shared>>
    %dma_start3A_94 = arith.constant 0 : i32
    %dma_start3A_95 = tpu.memref_slice %arg13[%add3A_91, %dma_start3A_94] : memref<10240x128xf32, #tpu.memory_space<vmem_shared>> -> memref<80x128xf32, #tpu.memory_space<vmem_shared>>
    tpu.enqueue_dma source(%arg12 : memref<80x128xf32, #tpu.memory_space<vmem>>) target(%dma_start3A_95 : memref<80x128xf32, #tpu.memory_space<vmem_shared>>) target_semaphore(%arg17 : memref<!tpu.dma_semaphore, #tpu.memory_space<semaphore_mem>>)
    %add3A_96 = arith.constant 480 : i32
    %add3A_97 = arith.addi %mul3A_4, %add3A_96 : i32
    %dma_start3A_98 = arith.constant 0 : i32
    %dma_start3A_99 = tpu.memref_slice %arg13[%add3A_97, %dma_start3A_98] : memref<10240x128xf32, #tpu.memory_space<vmem_shared>> -> memref<80x128xf32, #tpu.memory_space<vmem_shared>>
    %dma_start3A_100 = arith.constant 0 : i32
    %dma_start3A_101 = tpu.memref_slice %arg13[%add3A_97, %dma_start3A_100] : memref<10240x128xf32, #tpu.memory_space<vmem_shared>> -> memref<80x128xf32, #tpu.memory_space<vmem_shared>>
    tpu.enqueue_dma source(%arg12 : memref<80x128xf32, #tpu.memory_space<vmem>>) target(%dma_start3A_101 : memref<80x128xf32, #tpu.memory_space<vmem_shared>>) target_semaphore(%arg17 : memref<!tpu.dma_semaphore, #tpu.memory_space<semaphore_mem>>)
    %add3A_102 = arith.constant 560 : i32
    %add3A_103 = arith.addi %mul3A_4, %add3A_102 : i32
    %dma_start3A_104 = arith.constant 0 : i32
    %dma_start3A_105 = tpu.memref_slice %arg13[%add3A_103, %dma_start3A_104] : memref<10240x128xf32, #tpu.memory_space<vmem_shared>> -> memref<80x128xf32, #tpu.memory_space<vmem_shared>>
    %dma_start3A_106 = arith.constant 0 : i32
    %dma_start3A_107 = tpu.memref_slice %arg13[%add3A_103, %dma_start3A_106] : memref<10240x128xf32, #tpu.memory_space<vmem_shared>> -> memref<80x128xf32, #tpu.memory_space<vmem_shared>>
    tpu.enqueue_dma source(%arg12 : memref<80x128xf32, #tpu.memory_space<vmem>>) target(%dma_start3A_107 : memref<80x128xf32, #tpu.memory_space<vmem_shared>>) target_semaphore(%arg17 : memref<!tpu.dma_semaphore, #tpu.memory_space<semaphore_mem>>)
    "tpu.region"() ({
      %run_scoped3A = tpu.sem_alloc : memref<!tpu.dma_semaphore, #tpu.memory_space<semaphore_mem>>
      %dma_start3A_163 = tpu.memref_slice %arg22[%mul3A_4] : memref<10240xf32, #tpu.memory_space<vmem_shared>> -> memref<640xf32, #tpu.memory_space<vmem_shared>>
      %dma_start3A_164 = tpu.memref_slice %arg22[%mul3A_4] : memref<10240xf32, #tpu.memory_space<vmem_shared>> -> memref<640xf32, #tpu.memory_space<vmem_shared>>
      tpu.enqueue_dma source(%arg21 : memref<640xf32, #tpu.memory_space<vmem>>) target(%dma_start3A_164 : memref<640xf32, #tpu.memory_space<vmem_shared>>) target_semaphore(%run_scoped3A : memref<!tpu.dma_semaphore, #tpu.memory_space<semaphore_mem>>)
      %dma_wait3A_165 = tpu.memref_slice %arg22[%mul3A_4] : memref<10240xf32, #tpu.memory_space<vmem_shared>> -> memref<640xf32, #tpu.memory_space<vmem_shared>>
      %dma_wait3A_166 = tpu.memref_slice %arg22[%mul3A_4] : memref<10240xf32, #tpu.memory_space<vmem_shared>> -> memref<640xf32, #tpu.memory_space<vmem_shared>>
      tpu.wait_dma2 semaphore(%run_scoped3A : memref<!tpu.dma_semaphore, #tpu.memory_space<semaphore_mem>>) src(%arg21 : memref<640xf32, #tpu.memory_space<vmem>>) dst(%dma_wait3A_166 : memref<640xf32, #tpu.memory_space<vmem_shared>>)
      tpu.yield
    }) : () -> ()
    %dma_wait3A_108 = arith.constant 0 : i32
    %dma_wait3A_109 = tpu.memref_slice %arg13[%mul3A_4, %dma_wait3A_108] : memref<10240x128xf32, #tpu.memory_space<vmem_shared>> -> memref<80x128xf32, #tpu.memory_space<vmem_shared>>
    %dma_wait3A_110 = arith.constant 0 : i32
    %dma_wait3A_111 = tpu.memref_slice %arg13[%mul3A_4, %dma_wait3A_110] : memref<10240x128xf32, #tpu.memory_space<vmem_shared>> -> memref<80x128xf32, #tpu.memory_space<vmem_shared>>
    tpu.wait_dma2 semaphore(%arg17 : memref<!tpu.dma_semaphore, #tpu.memory_space<semaphore_mem>>) src(%arg12 : memref<80x128xf32, #tpu.memory_space<vmem>>) dst(%dma_wait3A_111 : memref<80x128xf32, #tpu.memory_space<vmem_shared>>)
    %dma_wait3A_112 = arith.constant 0 : i32
    %dma_wait3A_113 = tpu.memref_slice %arg13[%mul3A_4, %dma_wait3A_112] : memref<10240x128xf32, #tpu.memory_space<vmem_shared>> -> memref<80x128xf32, #tpu.memory_space<vmem_shared>>
    %dma_wait3A_114 = arith.constant 0 : i32
    %dma_wait3A_115 = tpu.memref_slice %arg13[%mul3A_4, %dma_wait3A_114] : memref<10240x128xf32, #tpu.memory_space<vmem_shared>> -> memref<80x128xf32, #tpu.memory_space<vmem_shared>>
    tpu.wait_dma2 semaphore(%arg17 : memref<!tpu.dma_semaphore, #tpu.memory_space<semaphore_mem>>) src(%arg12 : memref<80x128xf32, #tpu.memory_space<vmem>>) dst(%dma_wait3A_115 : memref<80x128xf32, #tpu.memory_space<vmem_shared>>)
    %dma_wait3A_116 = arith.constant 0 : i32
    %dma_wait3A_117 = tpu.memref_slice %arg13[%mul3A_4, %dma_wait3A_116] : memref<10240x128xf32, #tpu.memory_space<vmem_shared>> -> memref<80x128xf32, #tpu.memory_space<vmem_shared>>
    %dma_wait3A_118 = arith.constant 0 : i32
    %dma_wait3A_119 = tpu.memref_slice %arg13[%mul3A_4, %dma_wait3A_118] : memref<10240x128xf32, #tpu.memory_space<vmem_shared>> -> memref<80x128xf32, #tpu.memory_space<vmem_shared>>
    tpu.wait_dma2 semaphore(%arg17 : memref<!tpu.dma_semaphore, #tpu.memory_space<semaphore_mem>>) src(%arg12 : memref<80x128xf32, #tpu.memory_space<vmem>>) dst(%dma_wait3A_119 : memref<80x128xf32, #tpu.memory_space<vmem_shared>>)
    %dma_wait3A_120 = arith.constant 0 : i32
    %dma_wait3A_121 = tpu.memref_slice %arg13[%mul3A_4, %dma_wait3A_120] : memref<10240x128xf32, #tpu.memory_space<vmem_shared>> -> memref<80x128xf32, #tpu.memory_space<vmem_shared>>
    %dma_wait3A_122 = arith.constant 0 : i32
    %dma_wait3A_123 = tpu.memref_slice %arg13[%mul3A_4, %dma_wait3A_122] : memref<10240x128xf32, #tpu.memory_space<vmem_shared>> -> memref<80x128xf32, #tpu.memory_space<vmem_shared>>
    tpu.wait_dma2 semaphore(%arg17 : memref<!tpu.dma_semaphore, #tpu.memory_space<semaphore_mem>>) src(%arg12 : memref<80x128xf32, #tpu.memory_space<vmem>>) dst(%dma_wait3A_123 : memref<80x128xf32, #tpu.memory_space<vmem_shared>>)
    %dma_wait3A_124 = arith.constant 0 : i32
    %dma_wait3A_125 = tpu.memref_slice %arg13[%mul3A_4, %dma_wait3A_124] : memref<10240x128xf32, #tpu.memory_space<vmem_shared>> -> memref<80x128xf32, #tpu.memory_space<vmem_shared>>
    %dma_wait3A_126 = arith.constant 0 : i32
    %dma_wait3A_127 = tpu.memref_slice %arg13[%mul3A_4, %dma_wait3A_126] : memref<10240x128xf32, #tpu.memory_space<vmem_shared>> -> memref<80x128xf32, #tpu.memory_space<vmem_shared>>
    tpu.wait_dma2 semaphore(%arg17 : memref<!tpu.dma_semaphore, #tpu.memory_space<semaphore_mem>>) src(%arg12 : memref<80x128xf32, #tpu.memory_space<vmem>>) dst(%dma_wait3A_127 : memref<80x128xf32, #tpu.memory_space<vmem_shared>>)
    %dma_wait3A_128 = arith.constant 0 : i32
    %dma_wait3A_129 = tpu.memref_slice %arg13[%mul3A_4, %dma_wait3A_128] : memref<10240x128xf32, #tpu.memory_space<vmem_shared>> -> memref<80x128xf32, #tpu.memory_space<vmem_shared>>
    %dma_wait3A_130 = arith.constant 0 : i32
    %dma_wait3A_131 = tpu.memref_slice %arg13[%mul3A_4, %dma_wait3A_130] : memref<10240x128xf32, #tpu.memory_space<vmem_shared>> -> memref<80x128xf32, #tpu.memory_space<vmem_shared>>
    tpu.wait_dma2 semaphore(%arg17 : memref<!tpu.dma_semaphore, #tpu.memory_space<semaphore_mem>>) src(%arg12 : memref<80x128xf32, #tpu.memory_space<vmem>>) dst(%dma_wait3A_131 : memref<80x128xf32, #tpu.memory_space<vmem_shared>>)
    %dma_wait3A_132 = arith.constant 0 : i32
    %dma_wait3A_133 = tpu.memref_slice %arg13[%mul3A_4, %dma_wait3A_132] : memref<10240x128xf32, #tpu.memory_space<vmem_shared>> -> memref<80x128xf32, #tpu.memory_space<vmem_shared>>
    %dma_wait3A_134 = arith.constant 0 : i32
    %dma_wait3A_135 = tpu.memref_slice %arg13[%mul3A_4, %dma_wait3A_134] : memref<10240x128xf32, #tpu.memory_space<vmem_shared>> -> memref<80x128xf32, #tpu.memory_space<vmem_shared>>
    tpu.wait_dma2 semaphore(%arg17 : memref<!tpu.dma_semaphore, #tpu.memory_space<semaphore_mem>>) src(%arg12 : memref<80x128xf32, #tpu.memory_space<vmem>>) dst(%dma_wait3A_135 : memref<80x128xf32, #tpu.memory_space<vmem_shared>>)
    %dma_wait3A_136 = arith.constant 0 : i32
    %dma_wait3A_137 = tpu.memref_slice %arg13[%mul3A_4, %dma_wait3A_136] : memref<10240x128xf32, #tpu.memory_space<vmem_shared>> -> memref<80x128xf32, #tpu.memory_space<vmem_shared>>
    %dma_wait3A_138 = arith.constant 0 : i32
    %dma_wait3A_139 = tpu.memref_slice %arg13[%mul3A_4, %dma_wait3A_138] : memref<10240x128xf32, #tpu.memory_space<vmem_shared>> -> memref<80x128xf32, #tpu.memory_space<vmem_shared>>
    tpu.wait_dma2 semaphore(%arg17 : memref<!tpu.dma_semaphore, #tpu.memory_space<semaphore_mem>>) src(%arg12 : memref<80x128xf32, #tpu.memory_space<vmem>>) dst(%dma_wait3A_139 : memref<80x128xf32, #tpu.memory_space<vmem_shared>>)
    %barrier3A = arith.constant 0 : index
    tpu.barrier barrier_id(%barrier3A)
    %scan3A_140 = arith.constant 0 : i32
    %scan3A_141 = arith.constant 0 : i32
    %scan3A_142 = arith.constant 43 : i32
    %scan3A_143 = arith.addi %scan3A_141, %scan3A_142 : i32
    %scan3A_144 = arith.constant 1 : i32
    %scan3A_145 = scf.for %scan3A_163 = %scan3A_141 to %scan3A_143 step %scan3A_144 iter_args(%scan3A_164 = %scan3A_140) -> (i32)  : i32 {
      %mul3A_165 = arith.constant 3 : i32
      %mul3A_166 = arith.muli %mul3A_165, %scan3A_163 : i32
      %add3A_167 = arith.constant 0 : i32
      %add3A_168 = arith.addi %mul3A_166, %add3A_167 : i32
      %lt3A = arith.constant 125 : i32
      %lt3A_169 = arith.cmpi slt, %add3A_168, %lt3A : i32
      %convert_element_type3A = arith.extui %lt3A_169 : i1 to i32
      %cond3A = arith.constant 0 : i32
      %cond3A_170 = arith.cmpi ne, %convert_element_type3A, %cond3A : i32
      scf.if %cond3A_170 {
        %dma_wait3A_211 = arith.constant 0 : i32
        %dma_wait3A_212 = tpu.memref_slice %arg3[%dma_wait3A_211] : memref<640000xi32, #tpu.memory_space<hbm>> -> memref<80xi32, #tpu.memory_space<hbm>>
        %dma_wait3A_213 = arith.constant 0 : i32
        %dma_wait3A_214 = tpu.memref_slice %arg3[%dma_wait3A_213] : memref<640000xi32, #tpu.memory_space<hbm>> -> memref<80xi32, #tpu.memory_space<hbm>>
        tpu.wait_dma2 semaphore(%arg14 : memref<!tpu.dma_semaphore, #tpu.memory_space<semaphore_mem>>) src(%dma_wait3A_214 : memref<80xi32, #tpu.memory_space<hbm>>) dst(%arg7 : memref<80xi32, #tpu.memory_space<vmem>>)
        %dma_wait3A_215 = arith.constant 0 : i32
        %dma_wait3A_216 = tpu.memref_slice %arg6[%dma_wait3A_215] : memref<10000xi32, #tpu.memory_space<vmem>> -> memref<80xi32, #tpu.memory_space<vmem>>
        %dma_wait3A_217 = arith.constant 0 : i32
        %dma_wait3A_218 = arith.constant 0 : i32
        %dma_wait3A_219 = tpu.memref_slice %arg2[%dma_wait3A_217, %dma_wait3A_218] : memref<10000x128xf32, #tpu.memory_space<hbm>> -> memref<10000x128xf32, #tpu.memory_space<hbm>>
        tpu.wait_indirect_dma semaphore(%arg14 : memref<!tpu.dma_semaphore, #tpu.memory_space<semaphore_mem>>) src(%dma_wait3A_219 : memref<10000x128xf32, #tpu.memory_space<hbm>>) dst(%arg10 : memref<80x128xf32, #tpu.memory_space<vmem>>)
        %dma_start3A_220 = arith.constant 0 : i32
        %dma_start3A_221 = tpu.memref_slice %arg22[%dma_start3A_220] : memref<10240xf32, #tpu.memory_space<vmem_shared>> -> memref<10240xf32, #tpu.memory_space<vmem_shared>>
        tpu.enqueue_indirect_dma source(%arg20 : memref<80xf32, #tpu.memory_space<vmem>>) target(%dma_start3A_221 : memref<10240xf32, #tpu.memory_space<vmem_shared>>) offsets(%arg7 : memref<80xi32, #tpu.memory_space<vmem>>) semaphore(%arg23 : memref<!tpu.dma_semaphore, #tpu.memory_space<semaphore_mem>>) {add = true}
        %dma_start3A_222 = arith.constant 0 : i32
        %dma_start3A_223 = arith.constant 0 : i32
        %dma_start3A_224 = tpu.memref_slice %arg13[%dma_start3A_222, %dma_start3A_223] : memref<10240x128xf32, #tpu.memory_space<vmem_shared>> -> memref<10240x128xf32, #tpu.memory_space<vmem_shared>>
        tpu.enqueue_indirect_dma source(%arg10 : memref<80x128xf32, #tpu.memory_space<vmem>>) target(%dma_start3A_224 : memref<10240x128xf32, #tpu.memory_space<vmem_shared>>) offsets(%arg7 : memref<80xi32, #tpu.memory_space<vmem>>) semaphore(%arg17 : memref<!tpu.dma_semaphore, #tpu.memory_space<semaphore_mem>>) {add = true}
      } else {
      }
      %add3A_171 = arith.constant 2 : i32
      %add3A_172 = arith.addi %add3A_168, %add3A_171 : i32
      %lt3A_173 = arith.constant 125 : i32
      %lt3A_174 = arith.cmpi slt, %add3A_172, %lt3A_173 : i32
      %convert_element_type3A_175 = arith.extui %lt3A_174 : i1 to i32
      %cond3A_176 = arith.constant 0 : i32
      %cond3A_177 = arith.cmpi ne, %convert_element_type3A_175, %cond3A_176 : i32
      scf.if %cond3A_177 {
        %ge3A = arith.constant 1 : i32
        %ge3A_211 = arith.cmpi sge, %scan3A_163, %ge3A : i32
        %convert_element_type3A_212 = arith.extui %ge3A_211 : i1 to i32
        %cond3A_213 = arith.constant 0 : i32
        %cond3A_214 = arith.cmpi ne, %convert_element_type3A_212, %cond3A_213 : i32
        scf.if %cond3A_214 {
          %dma_wait3A_236 = arith.constant 0 : i32
          %dma_wait3A_237 = arith.constant 0 : i32
          %dma_wait3A_238 = tpu.memref_slice %arg13[%dma_wait3A_236, %dma_wait3A_237] : memref<10240x128xf32, #tpu.memory_space<vmem_shared>> -> memref<10240x128xf32, #tpu.memory_space<vmem_shared>>
          tpu.wait_indirect_dma semaphore(%arg19 : memref<!tpu.dma_semaphore, #tpu.memory_space<semaphore_mem>>) src(%arg12 : memref<80x128xf32, #tpu.memory_space<vmem>>) dst(%dma_wait3A_238 : memref<10240x128xf32, #tpu.memory_space<vmem_shared>>)
          %dma_wait3A_239 = arith.constant 0 : i32
          %dma_wait3A_240 = tpu.memref_slice %arg22[%dma_wait3A_239] : memref<10240xf32, #tpu.memory_space<vmem_shared>> -> memref<10240xf32, #tpu.memory_space<vmem_shared>>
          tpu.wait_indirect_dma semaphore(%arg25 : memref<!tpu.dma_semaphore, #tpu.memory_space<semaphore_mem>>) src(%arg20 : memref<80xf32, #tpu.memory_space<vmem>>) dst(%dma_wait3A_240 : memref<10240xf32, #tpu.memory_space<vmem_shared>>)
        } else {
        }
        %add3A_215 = arith.constant 2 : i32
        %add3A_216 = arith.addi %add3A_168, %add3A_215 : i32
        %mul3A_217 = arith.constant 10000 : i32
        %mul3A_218 = arith.muli %add3A, %mul3A_217 : i32
        %add3A_219 = arith.constant 320000 : i32
        %add3A_220 = arith.addi %add3A_219, %mul3A_218 : i32
        %mul3A_221 = arith.constant 80 : i32
        %mul3A_222 = arith.muli %add3A_216, %mul3A_221 : i32
        %add3A_223 = arith.addi %add3A_220, %mul3A_222 : i32
        %multiple_of3A_224 = tpu.assume_multiple %add3A_223, 8 : i32
        %dma_start3A_225 = tpu.memref_slice %arg3[%multiple_of3A_224] : memref<640000xi32, #tpu.memory_space<hbm>> -> memref<80xi32, #tpu.memory_space<hbm>>
        %dma_start3A_226 = tpu.memref_slice %arg3[%multiple_of3A_224] : memref<640000xi32, #tpu.memory_space<hbm>> -> memref<80xi32, #tpu.memory_space<hbm>>
        tpu.enqueue_dma source(%dma_start3A_226 : memref<80xi32, #tpu.memory_space<hbm>>) target(%arg9 : memref<80xi32, #tpu.memory_space<vmem>>) target_semaphore(%arg16 : memref<!tpu.dma_semaphore, #tpu.memory_space<semaphore_mem>>)
        %add3A_227 = arith.constant 2 : i32
        %add3A_228 = arith.addi %add3A_168, %add3A_227 : i32
        %mul3A_229 = arith.constant 80 : i32
        %mul3A_230 = arith.muli %add3A_228, %mul3A_229 : i32
        %multiple_of3A_231 = tpu.assume_multiple %mul3A_230, 8 : i32
        %dma_start3A_232 = tpu.memref_slice %arg6[%multiple_of3A_231] : memref<10000xi32, #tpu.memory_space<vmem>> -> memref<80xi32, #tpu.memory_space<vmem>>
        %dma_start3A_233 = arith.constant 0 : i32
        %dma_start3A_234 = arith.constant 0 : i32
        %dma_start3A_235 = tpu.memref_slice %arg2[%dma_start3A_233, %dma_start3A_234] : memref<10000x128xf32, #tpu.memory_space<hbm>> -> memref<10000x128xf32, #tpu.memory_space<hbm>>
        tpu.enqueue_indirect_dma source(%dma_start3A_235 : memref<10000x128xf32, #tpu.memory_space<hbm>>) target(%arg12 : memref<80x128xf32, #tpu.memory_space<vmem>>) offsets(%dma_start3A_232 : memref<80xi32, #tpu.memory_space<vmem>>) semaphore(%arg16 : memref<!tpu.dma_semaphore, #tpu.memory_space<semaphore_mem>>)
      } else {
      }
      %mul3A_178 = arith.constant 3 : i32
      %mul3A_179 = arith.muli %mul3A_178, %scan3A_163 : i32
      %add3A_180 = arith.constant 1 : i32
      %add3A_181 = arith.addi %mul3A_179, %add3A_180 : i32
      %lt3A_182 = arith.constant 125 : i32
      %lt3A_183 = arith.cmpi slt, %add3A_181, %lt3A_182 : i32
      %convert_element_type3A_184 = arith.extui %lt3A_183 : i1 to i32
      %cond3A_185 = arith.constant 0 : i32
      %cond3A_186 = arith.cmpi ne, %convert_element_type3A_184, %cond3A_185 : i32
      scf.if %cond3A_186 {
        %dma_wait3A_211 = arith.constant 0 : i32
        %dma_wait3A_212 = tpu.memref_slice %arg3[%dma_wait3A_211] : memref<640000xi32, #tpu.memory_space<hbm>> -> memref<80xi32, #tpu.memory_space<hbm>>
        %dma_wait3A_213 = arith.constant 0 : i32
        %dma_wait3A_214 = tpu.memref_slice %arg3[%dma_wait3A_213] : memref<640000xi32, #tpu.memory_space<hbm>> -> memref<80xi32, #tpu.memory_space<hbm>>
        tpu.wait_dma2 semaphore(%arg15 : memref<!tpu.dma_semaphore, #tpu.memory_space<semaphore_mem>>) src(%dma_wait3A_214 : memref<80xi32, #tpu.memory_space<hbm>>) dst(%arg8 : memref<80xi32, #tpu.memory_space<vmem>>)
        %dma_wait3A_215 = arith.constant 0 : i32
        %dma_wait3A_216 = tpu.memref_slice %arg6[%dma_wait3A_215] : memref<10000xi32, #tpu.memory_space<vmem>> -> memref<80xi32, #tpu.memory_space<vmem>>
        %dma_wait3A_217 = arith.constant 0 : i32
        %dma_wait3A_218 = arith.constant 0 : i32
        %dma_wait3A_219 = tpu.memref_slice %arg2[%dma_wait3A_217, %dma_wait3A_218] : memref<10000x128xf32, #tpu.memory_space<hbm>> -> memref<10000x128xf32, #tpu.memory_space<hbm>>
        tpu.wait_indirect_dma semaphore(%arg15 : memref<!tpu.dma_semaphore, #tpu.memory_space<semaphore_mem>>) src(%dma_wait3A_219 : memref<10000x128xf32, #tpu.memory_space<hbm>>) dst(%arg11 : memref<80x128xf32, #tpu.memory_space<vmem>>)
        %dma_start3A_220 = arith.constant 0 : i32
        %dma_start3A_221 = tpu.memref_slice %arg22[%dma_start3A_220] : memref<10240xf32, #tpu.memory_space<vmem_shared>> -> memref<10240xf32, #tpu.memory_space<vmem_shared>>
        tpu.enqueue_indirect_dma source(%arg20 : memref<80xf32, #tpu.memory_space<vmem>>) target(%dma_start3A_221 : memref<10240xf32, #tpu.memory_space<vmem_shared>>) offsets(%arg8 : memref<80xi32, #tpu.memory_space<vmem>>) semaphore(%arg24 : memref<!tpu.dma_semaphore, #tpu.memory_space<semaphore_mem>>) {add = true}
        %dma_start3A_222 = arith.constant 0 : i32
        %dma_start3A_223 = arith.constant 0 : i32
        %dma_start3A_224 = tpu.memref_slice %arg13[%dma_start3A_222, %dma_start3A_223] : memref<10240x128xf32, #tpu.memory_space<vmem_shared>> -> memref<10240x128xf32, #tpu.memory_space<vmem_shared>>
        tpu.enqueue_indirect_dma source(%arg11 : memref<80x128xf32, #tpu.memory_space<vmem>>) target(%dma_start3A_224 : memref<10240x128xf32, #tpu.memory_space<vmem_shared>>) offsets(%arg8 : memref<80xi32, #tpu.memory_space<vmem>>) semaphore(%arg18 : memref<!tpu.dma_semaphore, #tpu.memory_space<semaphore_mem>>) {add = true}
      } else {
      }
      %add3A_187 = arith.constant 2 : i32
      %add3A_188 = arith.addi %add3A_181, %add3A_187 : i32
      %lt3A_189 = arith.constant 125 : i32
      %lt3A_190 = arith.cmpi slt, %add3A_188, %lt3A_189 : i32
      %convert_element_type3A_191 = arith.extui %lt3A_190 : i1 to i32
      %cond3A_192 = arith.constant 0 : i32
      %cond3A_193 = arith.cmpi ne, %convert_element_type3A_191, %cond3A_192 : i32
      scf.if %cond3A_193 {
        %dma_wait3A_211 = arith.constant 0 : i32
        %dma_wait3A_212 = arith.constant 0 : i32
        %dma_wait3A_213 = tpu.memref_slice %arg13[%dma_wait3A_211, %dma_wait3A_212] : memref<10240x128xf32, #tpu.memory_space<vmem_shared>> -> memref<10240x128xf32, #tpu.memory_space<vmem_shared>>
        tpu.wait_indirect_dma semaphore(%arg17 : memref<!tpu.dma_semaphore, #tpu.memory_space<semaphore_mem>>) src(%arg10 : memref<80x128xf32, #tpu.memory_space<vmem>>) dst(%dma_wait3A_213 : memref<10240x128xf32, #tpu.memory_space<vmem_shared>>)
        %dma_wait3A_214 = arith.constant 0 : i32
        %dma_wait3A_215 = tpu.memref_slice %arg22[%dma_wait3A_214] : memref<10240xf32, #tpu.memory_space<vmem_shared>> -> memref<10240xf32, #tpu.memory_space<vmem_shared>>
        tpu.wait_indirect_dma semaphore(%arg23 : memref<!tpu.dma_semaphore, #tpu.memory_space<semaphore_mem>>) src(%arg20 : memref<80xf32, #tpu.memory_space<vmem>>) dst(%dma_wait3A_215 : memref<10240xf32, #tpu.memory_space<vmem_shared>>)
        %add3A_216 = arith.constant 2 : i32
        %add3A_217 = arith.addi %add3A_181, %add3A_216 : i32
        %mul3A_218 = arith.constant 10000 : i32
        %mul3A_219 = arith.muli %add3A, %mul3A_218 : i32
        %add3A_220 = arith.constant 320000 : i32
        %add3A_221 = arith.addi %add3A_220, %mul3A_219 : i32
        %mul3A_222 = arith.constant 80 : i32
        %mul3A_223 = arith.muli %add3A_217, %mul3A_222 : i32
        %add3A_224 = arith.addi %add3A_221, %mul3A_223 : i32
        %multiple_of3A_225 = tpu.assume_multiple %add3A_224, 8 : i32
        %dma_start3A_226 = tpu.memref_slice %arg3[%multiple_of3A_225] : memref<640000xi32, #tpu.memory_space<hbm>> -> memref<80xi32, #tpu.memory_space<hbm>>
        %dma_start3A_227 = tpu.memref_slice %arg3[%multiple_of3A_225] : memref<640000xi32, #tpu.memory_space<hbm>> -> memref<80xi32, #tpu.memory_space<hbm>>
        tpu.enqueue_dma source(%dma_start3A_227 : memref<80xi32, #tpu.memory_space<hbm>>) target(%arg7 : memref<80xi32, #tpu.memory_space<vmem>>) target_semaphore(%arg14 : memref<!tpu.dma_semaphore, #tpu.memory_space<semaphore_mem>>)
        %add3A_228 = arith.constant 2 : i32
        %add3A_229 = arith.addi %add3A_181, %add3A_228 : i32
        %mul3A_230 = arith.constant 80 : i32
        %mul3A_231 = arith.muli %add3A_229, %mul3A_230 : i32
        %multiple_of3A_232 = tpu.assume_multiple %mul3A_231, 8 : i32
        %dma_start3A_233 = tpu.memref_slice %arg6[%multiple_of3A_232] : memref<10000xi32, #tpu.memory_space<vmem>> -> memref<80xi32, #tpu.memory_space<vmem>>
        %dma_start3A_234 = arith.constant 0 : i32
        %dma_start3A_235 = arith.constant 0 : i32
        %dma_start3A_236 = tpu.memref_slice %arg2[%dma_start3A_234, %dma_start3A_235] : memref<10000x128xf32, #tpu.memory_space<hbm>> -> memref<10000x128xf32, #tpu.memory_space<hbm>>
        tpu.enqueue_indirect_dma source(%dma_start3A_236 : memref<10000x128xf32, #tpu.memory_space<hbm>>) target(%arg10 : memref<80x128xf32, #tpu.memory_space<vmem>>) offsets(%dma_start3A_233 : memref<80xi32, #tpu.memory_space<vmem>>) semaphore(%arg14 : memref<!tpu.dma_semaphore, #tpu.memory_space<semaphore_mem>>)
      } else {
      }
      %mul3A_194 = arith.constant 3 : i32
      %mul3A_195 = arith.muli %mul3A_194, %scan3A_163 : i32
      %add3A_196 = arith.constant 2 : i32
      %add3A_197 = arith.addi %mul3A_195, %add3A_196 : i32
      %lt3A_198 = arith.constant 125 : i32
      %lt3A_199 = arith.cmpi slt, %add3A_197, %lt3A_198 : i32
      %convert_element_type3A_200 = arith.extui %lt3A_199 : i1 to i32
      %cond3A_201 = arith.constant 0 : i32
      %cond3A_202 = arith.cmpi ne, %convert_element_type3A_200, %cond3A_201 : i32
      scf.if %cond3A_202 {
        %dma_wait3A_211 = arith.constant 0 : i32
        %dma_wait3A_212 = tpu.memref_slice %arg3[%dma_wait3A_211] : memref<640000xi32, #tpu.memory_space<hbm>> -> memref<80xi32, #tpu.memory_space<hbm>>
        %dma_wait3A_213 = arith.constant 0 : i32
        %dma_wait3A_214 = tpu.memref_slice %arg3[%dma_wait3A_213] : memref<640000xi32, #tpu.memory_space<hbm>> -> memref<80xi32, #tpu.memory_space<hbm>>
        tpu.wait_dma2 semaphore(%arg16 : memref<!tpu.dma_semaphore, #tpu.memory_space<semaphore_mem>>) src(%dma_wait3A_214 : memref<80xi32, #tpu.memory_space<hbm>>) dst(%arg9 : memref<80xi32, #tpu.memory_space<vmem>>)
        %dma_wait3A_215 = arith.constant 0 : i32
        %dma_wait3A_216 = tpu.memref_slice %arg6[%dma_wait3A_215] : memref<10000xi32, #tpu.memory_space<vmem>> -> memref<80xi32, #tpu.memory_space<vmem>>
        %dma_wait3A_217 = arith.constant 0 : i32
        %dma_wait3A_218 = arith.constant 0 : i32
        %dma_wait3A_219 = tpu.memref_slice %arg2[%dma_wait3A_217, %dma_wait3A_218] : memref<10000x128xf32, #tpu.memory_space<hbm>> -> memref<10000x128xf32, #tpu.memory_space<hbm>>
        tpu.wait_indirect_dma semaphore(%arg16 : memref<!tpu.dma_semaphore, #tpu.memory_space<semaphore_mem>>) src(%dma_wait3A_219 : memref<10000x128xf32, #tpu.memory_space<hbm>>) dst(%arg12 : memref<80x128xf32, #tpu.memory_space<vmem>>)
        %dma_start3A_220 = arith.constant 0 : i32
        %dma_start3A_221 = tpu.memref_slice %arg22[%dma_start3A_220] : memref<10240xf32, #tpu.memory_space<vmem_shared>> -> memref<10240xf32, #tpu.memory_space<vmem_shared>>
        tpu.enqueue_indirect_dma source(%arg20 : memref<80xf32, #tpu.memory_space<vmem>>) target(%dma_start3A_221 : memref<10240xf32, #tpu.memory_space<vmem_shared>>) offsets(%arg9 : memref<80xi32, #tpu.memory_space<vmem>>) semaphore(%arg25 : memref<!tpu.dma_semaphore, #tpu.memory_space<semaphore_mem>>) {add = true}
        %dma_start3A_222 = arith.constant 0 : i32
        %dma_start3A_223 = arith.constant 0 : i32
        %dma_start3A_224 = tpu.memref_slice %arg13[%dma_start3A_222, %dma_start3A_223] : memref<10240x128xf32, #tpu.memory_space<vmem_shared>> -> memref<10240x128xf32, #tpu.memory_space<vmem_shared>>
        tpu.enqueue_indirect_dma source(%arg12 : memref<80x128xf32, #tpu.memory_space<vmem>>) target(%dma_start3A_224 : memref<10240x128xf32, #tpu.memory_space<vmem_shared>>) offsets(%arg9 : memref<80xi32, #tpu.memory_space<vmem>>) semaphore(%arg19 : memref<!tpu.dma_semaphore, #tpu.memory_space<semaphore_mem>>) {add = true}
      } else {
      }
      %add3A_203 = arith.constant 2 : i32
      %add3A_204 = arith.addi %add3A_197, %add3A_203 : i32
      %lt3A_205 = arith.constant 125 : i32
      %lt3A_206 = arith.cmpi slt, %add3A_204, %lt3A_205 : i32
      %convert_element_type3A_207 = arith.extui %lt3A_206 : i1 to i32
      %cond3A_208 = arith.constant 0 : i32
      %cond3A_209 = arith.cmpi ne, %convert_element_type3A_207, %cond3A_208 : i32
      scf.if %cond3A_209 {
        %dma_wait3A_211 = arith.constant 0 : i32
        %dma_wait3A_212 = arith.constant 0 : i32
        %dma_wait3A_213 = tpu.memref_slice %arg13[%dma_wait3A_211, %dma_wait3A_212] : memref<10240x128xf32, #tpu.memory_space<vmem_shared>> -> memref<10240x128xf32, #tpu.memory_space<vmem_shared>>
        tpu.wait_indirect_dma semaphore(%arg18 : memref<!tpu.dma_semaphore, #tpu.memory_space<semaphore_mem>>) src(%arg11 : memref<80x128xf32, #tpu.memory_space<vmem>>) dst(%dma_wait3A_213 : memref<10240x128xf32, #tpu.memory_space<vmem_shared>>)
        %dma_wait3A_214 = arith.constant 0 : i32
        %dma_wait3A_215 = tpu.memref_slice %arg22[%dma_wait3A_214] : memref<10240xf32, #tpu.memory_space<vmem_shared>> -> memref<10240xf32, #tpu.memory_space<vmem_shared>>
        tpu.wait_indirect_dma semaphore(%arg24 : memref<!tpu.dma_semaphore, #tpu.memory_space<semaphore_mem>>) src(%arg20 : memref<80xf32, #tpu.memory_space<vmem>>) dst(%dma_wait3A_215 : memref<10240xf32, #tpu.memory_space<vmem_shared>>)
        %add3A_216 = arith.constant 2 : i32
        %add3A_217 = arith.addi %add3A_197, %add3A_216 : i32
        %mul3A_218 = arith.constant 10000 : i32
        %mul3A_219 = arith.muli %add3A, %mul3A_218 : i32
        %add3A_220 = arith.constant 320000 : i32
        %add3A_221 = arith.addi %add3A_220, %mul3A_219 : i32
        %mul3A_222 = arith.constant 80 : i32
        %mul3A_223 = arith.muli %add3A_217, %mul3A_222 : i32
        %add3A_224 = arith.addi %add3A_221, %mul3A_223 : i32
        %multiple_of3A_225 = tpu.assume_multiple %add3A_224, 8 : i32
        %dma_start3A_226 = tpu.memref_slice %arg3[%multiple_of3A_225] : memref<640000xi32, #tpu.memory_space<hbm>> -> memref<80xi32, #tpu.memory_space<hbm>>
        %dma_start3A_227 = tpu.memref_slice %arg3[%multiple_of3A_225] : memref<640000xi32, #tpu.memory_space<hbm>> -> memref<80xi32, #tpu.memory_space<hbm>>
        tpu.enqueue_dma source(%dma_start3A_227 : memref<80xi32, #tpu.memory_space<hbm>>) target(%arg8 : memref<80xi32, #tpu.memory_space<vmem>>) target_semaphore(%arg15 : memref<!tpu.dma_semaphore, #tpu.memory_space<semaphore_mem>>)
        %add3A_228 = arith.constant 2 : i32
        %add3A_229 = arith.addi %add3A_197, %add3A_228 : i32
        %mul3A_230 = arith.constant 80 : i32
        %mul3A_231 = arith.muli %add3A_229, %mul3A_230 : i32
        %multiple_of3A_232 = tpu.assume_multiple %mul3A_231, 8 : i32
        %dma_start3A_233 = tpu.memref_slice %arg6[%multiple_of3A_232] : memref<10000xi32, #tpu.memory_space<vmem>> -> memref<80xi32, #tpu.memory_space<vmem>>
        %dma_start3A_234 = arith.constant 0 : i32
        %dma_start3A_235 = arith.constant 0 : i32
        %dma_start3A_236 = tpu.memref_slice %arg2[%dma_start3A_234, %dma_start3A_235] : memref<10000x128xf32, #tpu.memory_space<hbm>> -> memref<10000x128xf32, #tpu.memory_space<hbm>>
        tpu.enqueue_indirect_dma source(%dma_start3A_236 : memref<10000x128xf32, #tpu.memory_space<hbm>>) target(%arg11 : memref<80x128xf32, #tpu.memory_space<vmem>>) offsets(%dma_start3A_233 : memref<80xi32, #tpu.memory_space<vmem>>) semaphore(%arg15 : memref<!tpu.dma_semaphore, #tpu.memory_space<semaphore_mem>>)
      } else {
      }
      %scan3A_210 = arith.constant 0 : i32
      scf.yield %scan3A_210 : i32
    }
    %scan3A_146 = arith.constant 43 : i32
    %dma_wait3A_147 = arith.constant 0 : i32
    %dma_wait3A_148 = arith.constant 0 : i32
    %dma_wait3A_149 = tpu.memref_slice %arg13[%dma_wait3A_147, %dma_wait3A_148] : memref<10240x128xf32, #tpu.memory_space<vmem_shared>> -> memref<10240x128xf32, #tpu.memory_space<vmem_shared>>
    tpu.wait_indirect_dma semaphore(%arg17 : memref<!tpu.dma_semaphore, #tpu.memory_space<semaphore_mem>>) src(%arg10 : memref<80x128xf32, #tpu.memory_space<vmem>>) dst(%dma_wait3A_149 : memref<10240x128xf32, #tpu.memory_space<vmem_shared>>)
    %dma_wait3A_150 = arith.constant 0 : i32
    %dma_wait3A_151 = tpu.memref_slice %arg22[%dma_wait3A_150] : memref<10240xf32, #tpu.memory_space<vmem_shared>> -> memref<10240xf32, #tpu.memory_space<vmem_shared>>
    tpu.wait_indirect_dma semaphore(%arg23 : memref<!tpu.dma_semaphore, #tpu.memory_space<semaphore_mem>>) src(%arg20 : memref<80xf32, #tpu.memory_space<vmem>>) dst(%dma_wait3A_151 : memref<10240xf32, #tpu.memory_space<vmem_shared>>)
    %dma_wait3A_152 = arith.constant 0 : i32
    %dma_wait3A_153 = arith.constant 0 : i32
    %dma_wait3A_154 = tpu.memref_slice %arg13[%dma_wait3A_152, %dma_wait3A_153] : memref<10240x128xf32, #tpu.memory_space<vmem_shared>> -> memref<10240x128xf32, #tpu.memory_space<vmem_shared>>
    tpu.wait_indirect_dma semaphore(%arg18 : memref<!tpu.dma_semaphore, #tpu.memory_space<semaphore_mem>>) src(%arg11 : memref<80x128xf32, #tpu.memory_space<vmem>>) dst(%dma_wait3A_154 : memref<10240x128xf32, #tpu.memory_space<vmem_shared>>)
    %dma_wait3A_155 = arith.constant 0 : i32
    %dma_wait3A_156 = tpu.memref_slice %arg22[%dma_wait3A_155] : memref<10240xf32, #tpu.memory_space<vmem_shared>> -> memref<10240xf32, #tpu.memory_space<vmem_shared>>
    tpu.wait_indirect_dma semaphore(%arg24 : memref<!tpu.dma_semaphore, #tpu.memory_space<semaphore_mem>>) src(%arg20 : memref<80xf32, #tpu.memory_space<vmem>>) dst(%dma_wait3A_156 : memref<10240xf32, #tpu.memory_space<vmem_shared>>)
    %dma_wait3A_157 = arith.constant 0 : i32
    %dma_wait3A_158 = arith.constant 0 : i32
    %dma_wait3A_159 = tpu.memref_slice %arg13[%dma_wait3A_157, %dma_wait3A_158] : memref<10240x128xf32, #tpu.memory_space<vmem_shared>> -> memref<10240x128xf32, #tpu.memory_space<vmem_shared>>
    tpu.wait_indirect_dma semaphore(%arg19 : memref<!tpu.dma_semaphore, #tpu.memory_space<semaphore_mem>>) src(%arg12 : memref<80x128xf32, #tpu.memory_space<vmem>>) dst(%dma_wait3A_159 : memref<10240x128xf32, #tpu.memory_space<vmem_shared>>)
    %dma_wait3A_160 = arith.constant 0 : i32
    %dma_wait3A_161 = tpu.memref_slice %arg22[%dma_wait3A_160] : memref<10240xf32, #tpu.memory_space<vmem_shared>> -> memref<10240xf32, #tpu.memory_space<vmem_shared>>
    tpu.wait_indirect_dma semaphore(%arg25 : memref<!tpu.dma_semaphore, #tpu.memory_space<semaphore_mem>>) src(%arg20 : memref<80xf32, #tpu.memory_space<vmem>>) dst(%dma_wait3A_161 : memref<10240xf32, #tpu.memory_space<vmem_shared>>)
    %barrier3A_162 = arith.constant 0 : index
    tpu.barrier barrier_id(%barrier3A_162)
    "tpu.region"() ({
      %run_scoped3A = tpu.sem_alloc : memref<!tpu.dma_semaphore, #tpu.memory_space<semaphore_mem>>
      %dma_start3A_163 = arith.constant 0 : i32
      %dma_start3A_164 = tpu.memref_slice %arg4[%arg0, %mul3A_4, %dma_start3A_163] : memref<2x10240x128xf32, #tpu.memory_space<hbm>> -> memref<1x640x128xf32, #tpu.memory_space<hbm>>
      %dma_start3A_165 = tpu.memref_squeeze %dma_start3A_164 : memref<1x640x128xf32, #tpu.memory_space<hbm>> -> memref<640x128xf32, #tpu.memory_space<hbm>>
      %dma_start3A_166 = arith.constant 0 : i32
      %dma_start3A_167 = tpu.memref_slice %arg13[%mul3A_4, %dma_start3A_166] : memref<10240x128xf32, #tpu.memory_space<vmem_shared>> -> memref<640x128xf32, #tpu.memory_space<vmem_shared>>
      tpu.enqueue_dma source(%dma_start3A_167 : memref<640x128xf32, #tpu.memory_space<vmem_shared>>) target(%dma_start3A_165 : memref<640x128xf32, #tpu.memory_space<hbm>>) target_semaphore(%run_scoped3A : memref<!tpu.dma_semaphore, #tpu.memory_space<semaphore_mem>>)
      %dma_wait3A_168 = arith.constant 0 : i32
      %dma_wait3A_169 = tpu.memref_slice %arg4[%arg0, %mul3A_4, %dma_wait3A_168] : memref<2x10240x128xf32, #tpu.memory_space<hbm>> -> memref<1x640x128xf32, #tpu.memory_space<hbm>>
      %dma_wait3A_170 = tpu.memref_squeeze %dma_wait3A_169 : memref<1x640x128xf32, #tpu.memory_space<hbm>> -> memref<640x128xf32, #tpu.memory_space<hbm>>
      %dma_wait3A_171 = arith.constant 0 : i32
      %dma_wait3A_172 = tpu.memref_slice %arg13[%mul3A_4, %dma_wait3A_171] : memref<10240x128xf32, #tpu.memory_space<vmem_shared>> -> memref<640x128xf32, #tpu.memory_space<vmem_shared>>
      tpu.wait_dma2 semaphore(%run_scoped3A : memref<!tpu.dma_semaphore, #tpu.memory_space<semaphore_mem>>) src(%dma_wait3A_172 : memref<640x128xf32, #tpu.memory_space<vmem_shared>>) dst(%dma_wait3A_170 : memref<640x128xf32, #tpu.memory_space<hbm>>)
      tpu.yield
    }) : () -> ()
    "tpu.region"() ({
      %run_scoped3A = tpu.sem_alloc : memref<!tpu.dma_semaphore, #tpu.memory_space<semaphore_mem>>
      %dma_start3A_163 = tpu.memref_slice %arg5[%arg0, %mul3A_4] : memref<2x10240xf32, #tpu.memory_space<hbm>> -> memref<1x640xf32, #tpu.memory_space<hbm>>
      %dma_start3A_164 = tpu.memref_squeeze %dma_start3A_163 : memref<1x640xf32, #tpu.memory_space<hbm>> -> memref<640xf32, #tpu.memory_space<hbm>>
      %dma_start3A_165 = tpu.memref_slice %arg22[%mul3A_4] : memref<10240xf32, #tpu.memory_space<vmem_shared>> -> memref<640xf32, #tpu.memory_space<vmem_shared>>
      tpu.enqueue_dma source(%dma_start3A_165 : memref<640xf32, #tpu.memory_space<vmem_shared>>) target(%dma_start3A_164 : memref<640xf32, #tpu.memory_space<hbm>>) target_semaphore(%run_scoped3A : memref<!tpu.dma_semaphore, #tpu.memory_space<semaphore_mem>>)
      %dma_wait3A_166 = tpu.memref_slice %arg5[%arg0, %mul3A_4] : memref<2x10240xf32, #tpu.memory_space<hbm>> -> memref<1x640xf32, #tpu.memory_space<hbm>>
      %dma_wait3A_167 = tpu.memref_squeeze %dma_wait3A_166 : memref<1x640xf32, #tpu.memory_space<hbm>> -> memref<640xf32, #tpu.memory_space<hbm>>
      %dma_wait3A_168 = tpu.memref_slice %arg22[%mul3A_4] : memref<10240xf32, #tpu.memory_space<vmem_shared>> -> memref<640xf32, #tpu.memory_space<vmem_shared>>
      tpu.wait_dma2 semaphore(%run_scoped3A : memref<!tpu.dma_semaphore, #tpu.memory_space<semaphore_mem>>) src(%dma_wait3A_168 : memref<640xf32, #tpu.memory_space<vmem_shared>>) dst(%dma_wait3A_167 : memref<640xf32, #tpu.memory_space<hbm>>)
      tpu.yield
    }) : () -> ()
    return
  }
}

module attributes {stable_mosaic.version = 14 : i64} {
  func.func @_tc2_body(%arg0: i32, %arg1: memref<2x2000x128xf32, #tpu.memory_space<vmem>>, %arg2: memref<2000x1xf32, #tpu.memory_space<vmem>>, %arg3: memref<2000x128xf32, #tpu.memory_space<vmem>>, %arg4: memref<128x128xf32, #tpu.memory_space<vmem>>, %arg5: memref<1x128xf32, #tpu.memory_space<vmem>>, %arg6: memref<128x128xf32, #tpu.memory_space<vmem>>, %arg7: memref<2000x128xf32, #tpu.memory_space<vmem>>) attributes {dimension_semantics = [#tpu.dimension_semantics<arbitrary>], iteration_bounds = array<i64: 5>, scalar_prefetch = 0 : i64, scratch_operands = 0 : i64, tpu.core_type = #tpu.core_type<tc>, window_params = [{transform_indices = @transform_0, window_bounds = array<i64: 2, 2000, 128>}, {transform_indices = @transform_1, window_bounds = array<i64: 2000, 1>}, {transform_indices = @transform_2, window_bounds = array<i64: 2000, 128>}, {pipeline_mode = #tpu.pipeline_mode<synchronous>, transform_indices = @transform_3, window_bounds = array<i64: 128, 128>}, {pipeline_mode = #tpu.pipeline_mode<synchronous>, transform_indices = @transform_4, window_bounds = array<i64: 1, 128>}, {pipeline_mode = #tpu.pipeline_mode<synchronous>, transform_indices = @transform_5, window_bounds = array<i64: 128, 128>}, {transform_indices = @transform_6, window_bounds = array<i64: 2000, 128>}]} {
    %get3A = arith.constant 0 : index
    %get3A_0 = arith.constant 0 : index
    %get3A_1 = arith.constant 0 : index
    %get3A_2 = vector.load %arg1[%get3A, %get3A_0, %get3A_1] : memref<2x2000x128xf32, #tpu.memory_space<vmem>>, vector<1x2000x128xf32>
    %get3A_3 = vector.shape_cast %get3A_2 : vector<1x2000x128xf32> to vector<2000x128xf32>
    %get3A_4 = arith.constant 1 : index
    %get3A_5 = arith.constant 0 : index
    %get3A_6 = arith.constant 0 : index
    %get3A_7 = vector.load %arg1[%get3A_4, %get3A_5, %get3A_6] : memref<2x2000x128xf32, #tpu.memory_space<vmem>>, vector<1x2000x128xf32>
    %get3A_8 = vector.shape_cast %get3A_7 : vector<1x2000x128xf32> to vector<2000x128xf32>
    %add3A = arith.addf %get3A_3, %get3A_8 : vector<2000x128xf32>
    %get3A_9 = arith.constant 0 : index
    %get3A_10 = arith.constant 0 : index
    %get3A_11 = vector.load %arg2[%get3A_9, %get3A_10] : memref<2000x1xf32, #tpu.memory_space<vmem>>, vector<2000x1xf32>
    %mul3A = vector.broadcast %get3A_11 : vector<2000x1xf32> to vector<2000x128xf32>
    %mul3A_12 = arith.mulf %add3A, %mul3A : vector<2000x128xf32>
    %get3A_13 = arith.constant 0 : index
    %get3A_14 = arith.constant 0 : index
    %get3A_15 = vector.load %arg4[%get3A_13, %get3A_14] : memref<128x128xf32, #tpu.memory_space<vmem>>, vector<128x128xf32>
    %dot_general3A = arith.constant dense<0.000000e+00> : vector<2000x128xf32>
    %dot_general3A_16 = tpu.matmul %mul3A_12, %get3A_15, %dot_general3A {dimension_numbers = #tpu.dot_dimension_numbers<[1], [0], [0], [1], [0, 0, 1, 1], [], []>, transpose_lhs_hint = false} : vector<2000x128xf32>, vector<128x128xf32>, vector<2000x128xf32> -> vector<2000x128xf32>
    %get3A_17 = arith.constant 0 : index
    %get3A_18 = arith.constant 0 : index
    %get3A_19 = vector.load %arg3[%get3A_17, %get3A_18] : memref<2000x128xf32, #tpu.memory_space<vmem>>, vector<2000x128xf32>
    %get3A_20 = arith.constant 0 : index
    %get3A_21 = arith.constant 0 : index
    %get3A_22 = vector.load %arg6[%get3A_20, %get3A_21] : memref<128x128xf32, #tpu.memory_space<vmem>>, vector<128x128xf32>
    %dot_general3A_23 = arith.constant dense<0.000000e+00> : vector<2000x128xf32>
    %dot_general3A_24 = tpu.matmul %get3A_19, %get3A_22, %dot_general3A_23 {dimension_numbers = #tpu.dot_dimension_numbers<[1], [0], [0], [1], [0, 0, 1, 1], [], []>, transpose_lhs_hint = false} : vector<2000x128xf32>, vector<128x128xf32>, vector<2000x128xf32> -> vector<2000x128xf32>
    %add3A_25 = arith.addf %dot_general3A_16, %dot_general3A_24 : vector<2000x128xf32>
    %get3A_26 = arith.constant 0 : index
    %get3A_27 = arith.constant 0 : index
    %get3A_28 = vector.load %arg5[%get3A_26, %get3A_27] : memref<1x128xf32, #tpu.memory_space<vmem>>, vector<1x128xf32>
    %add3A_29 = vector.broadcast %get3A_28 : vector<1x128xf32> to vector<2000x128xf32>
    %add3A_30 = arith.addf %add3A_25, %add3A_29 : vector<2000x128xf32>
    %mul3A_31 = arith.mulf %add3A_30, %add3A_30 : vector<2000x128xf32>
    %reduce_sum3A = arith.constant dense<0.000000e+00> : vector<2000xf32>
    %reduce_sum3A_32 = vector.multi_reduction <add>, %mul3A_31, %reduce_sum3A [1] : vector<2000x128xf32> to vector<2000xf32>
    %broadcast_in_dim3A = vector.shape_cast %reduce_sum3A_32 : vector<2000xf32> to vector<2000x1xf32>
    %sqrt3A = math.sqrt %broadcast_in_dim3A : vector<2000x1xf32>
    %max3A = arith.constant 9.99999996E-13 : f32
    %max3A_33 = vector.broadcast %max3A : f32 to vector<2000x1xf32>
    %max3A_34 = arith.maximumf %sqrt3A, %max3A_33 : vector<2000x1xf32>
    %div3A = vector.broadcast %max3A_34 : vector<2000x1xf32> to vector<2000x128xf32>
    %div3A_35 = arith.divf %add3A_30, %div3A : vector<2000x128xf32>
    %max3A_36 = arith.constant 0.000000e+00 : f32
    %max3A_37 = vector.broadcast %max3A_36 : f32 to vector<2000x128xf32>
    %max3A_38 = arith.maximumf %div3A_35, %max3A_37 : vector<2000x128xf32>
    %swap3A = arith.constant 0 : index
    %swap3A_39 = arith.constant 0 : index
    %swap3A_40 = vector.load %arg7[%swap3A, %swap3A_39] : memref<2000x128xf32, #tpu.memory_space<vmem>>, vector<2000x128xf32>
    tpu.vector_store %arg7[%swap3A, %swap3A_39], %max3A_38 {strides = array<i32>} : memref<2000x128xf32, #tpu.memory_space<vmem>>, vector<2000x128xf32>,
    return
  }
  func.func @transform_0(%arg0: i32) -> (i32, i32, i32) {
    %c0_i32 = arith.constant 0 : i32
    %c0_i32_0 = arith.constant 0 : i32
    %c0_i32_1 = arith.constant 0 : i32
    return %c0_i32, %arg0, %c0_i32_0 : i32, i32, i32
  }
  func.func @transform_1(%arg0: i32) -> (i32, i32) {
    %c0_i32 = arith.constant 0 : i32
    %c0_i32_0 = arith.constant 0 : i32
    return %arg0, %c0_i32 : i32, i32
  }
  func.func @transform_2(%arg0: i32) -> (i32, i32) {
    %c0_i32 = arith.constant 0 : i32
    %c0_i32_0 = arith.constant 0 : i32
    return %arg0, %c0_i32 : i32, i32
  }
  func.func @transform_3(%arg0: i32) -> (i32, i32) {
    %c0_i32 = arith.constant 0 : i32
    %c0_i32_0 = arith.constant 0 : i32
    %c0_i32_1 = arith.constant 0 : i32
    return %c0_i32, %c0_i32_0 : i32, i32
  }
  func.func @transform_4(%arg0: i32) -> (i32, i32) {
    %c0_i32 = arith.constant 0 : i32
    %c0_i32_0 = arith.constant 0 : i32
    %c0_i32_1 = arith.constant 0 : i32
    return %c0_i32, %c0_i32_0 : i32, i32
  }
  func.func @transform_5(%arg0: i32) -> (i32, i32) {
    %c0_i32 = arith.constant 0 : i32
    %c0_i32_0 = arith.constant 0 : i32
    %c0_i32_1 = arith.constant 0 : i32
    return %c0_i32, %c0_i32_0 : i32, i32
  }
  func.func @transform_6(%arg0: i32) -> (i32, i32) {
    %c0_i32 = arith.constant 0 : i32
    %c0_i32_0 = arith.constant 0 : i32
    return %arg0, %c0_i32 : i32, i32
  }
}

module attributes {stable_mosaic.version = 14 : i64} {
  func.func @_tc1_body(%arg0: i32, %arg1: memref<2x2000x128xf32, #tpu.memory_space<vmem>>, %arg2: memref<2x2000x1xf32, #tpu.memory_space<vmem>>, %arg3: memref<2000x128xf32, #tpu.memory_space<vmem>>, %arg4: memref<128x128xf32, #tpu.memory_space<vmem>>, %arg5: memref<1x128xf32, #tpu.memory_space<vmem>>, %arg6: memref<128x128xf32, #tpu.memory_space<vmem>>, %arg7: memref<2000x128xf32, #tpu.memory_space<vmem>>, %arg8: memref<2000x1xf32, #tpu.memory_space<vmem>>) attributes {dimension_semantics = [#tpu.dimension_semantics<arbitrary>], iteration_bounds = array<i64: 5>, scalar_prefetch = 0 : i64, scratch_operands = 0 : i64, tpu.core_type = #tpu.core_type<tc>, window_params = [{transform_indices = @transform_0, window_bounds = array<i64: 2, 2000, 128>}, {transform_indices = @transform_1, window_bounds = array<i64: 2, 2000, 1>}, {transform_indices = @transform_2, window_bounds = array<i64: 2000, 128>}, {pipeline_mode = #tpu.pipeline_mode<synchronous>, transform_indices = @transform_3, window_bounds = array<i64: 128, 128>}, {pipeline_mode = #tpu.pipeline_mode<synchronous>, transform_indices = @transform_4, window_bounds = array<i64: 1, 128>}, {pipeline_mode = #tpu.pipeline_mode<synchronous>, transform_indices = @transform_5, window_bounds = array<i64: 128, 128>}, {transform_indices = @transform_6, window_bounds = array<i64: 2000, 128>}, {transform_indices = @transform_7, window_bounds = array<i64: 2000, 1>}]} {
    %get3A = arith.constant 0 : index
    %get3A_0 = arith.constant 0 : index
    %get3A_1 = arith.constant 0 : index
    %get3A_2 = vector.load %arg1[%get3A, %get3A_0, %get3A_1] : memref<2x2000x128xf32, #tpu.memory_space<vmem>>, vector<1x2000x128xf32>
    %get3A_3 = vector.shape_cast %get3A_2 : vector<1x2000x128xf32> to vector<2000x128xf32>
    %get3A_4 = arith.constant 1 : index
    %get3A_5 = arith.constant 0 : index
    %get3A_6 = arith.constant 0 : index
    %get3A_7 = vector.load %arg1[%get3A_4, %get3A_5, %get3A_6] : memref<2x2000x128xf32, #tpu.memory_space<vmem>>, vector<1x2000x128xf32>
    %get3A_8 = vector.shape_cast %get3A_7 : vector<1x2000x128xf32> to vector<2000x128xf32>
    %add3A = arith.addf %get3A_3, %get3A_8 : vector<2000x128xf32>
    %get3A_9 = arith.constant 0 : index
    %get3A_10 = arith.constant 0 : index
    %get3A_11 = arith.constant 0 : index
    %get3A_12 = vector.load %arg2[%get3A_9, %get3A_10, %get3A_11] : memref<2x2000x1xf32, #tpu.memory_space<vmem>>, vector<1x2000x1xf32>
    %get3A_13 = vector.shape_cast %get3A_12 : vector<1x2000x1xf32> to vector<2000x1xf32>
    %get3A_14 = arith.constant 1 : index
    %get3A_15 = arith.constant 0 : index
    %get3A_16 = arith.constant 0 : index
    %get3A_17 = vector.load %arg2[%get3A_14, %get3A_15, %get3A_16] : memref<2x2000x1xf32, #tpu.memory_space<vmem>>, vector<1x2000x1xf32>
    %get3A_18 = vector.shape_cast %get3A_17 : vector<1x2000x1xf32> to vector<2000x1xf32>
    %add3A_19 = arith.addf %get3A_13, %get3A_18 : vector<2000x1xf32>
    %max3A = arith.constant 1.000000e+00 : f32
    %max3A_20 = vector.broadcast %max3A : f32 to vector<2000x1xf32>
    %max3A_21 = arith.maximumf %add3A_19, %max3A_20 : vector<2000x1xf32>
    %div3A = arith.constant 1.000000e+00 : f32
    %div3A_22 = vector.broadcast %div3A : f32 to vector<2000x1xf32>
    %div3A_23 = arith.divf %div3A_22, %max3A_21 : vector<2000x1xf32>
    %mul3A = vector.broadcast %div3A_23 : vector<2000x1xf32> to vector<2000x128xf32>
    %mul3A_24 = arith.mulf %add3A, %mul3A : vector<2000x128xf32>
    %get3A_25 = arith.constant 0 : index
    %get3A_26 = arith.constant 0 : index
    %get3A_27 = vector.load %arg4[%get3A_25, %get3A_26] : memref<128x128xf32, #tpu.memory_space<vmem>>, vector<128x128xf32>
    %dot_general3A = arith.constant dense<0.000000e+00> : vector<2000x128xf32>
    %dot_general3A_28 = tpu.matmul %mul3A_24, %get3A_27, %dot_general3A {dimension_numbers = #tpu.dot_dimension_numbers<[1], [0], [0], [1], [0, 0, 1, 1], [], []>, transpose_lhs_hint = false} : vector<2000x128xf32>, vector<128x128xf32>, vector<2000x128xf32> -> vector<2000x128xf32>
    %get3A_29 = arith.constant 0 : index
    %get3A_30 = arith.constant 0 : index
    %get3A_31 = vector.load %arg3[%get3A_29, %get3A_30] : memref<2000x128xf32, #tpu.memory_space<vmem>>, vector<2000x128xf32>
    %get3A_32 = arith.constant 0 : index
    %get3A_33 = arith.constant 0 : index
    %get3A_34 = vector.load %arg6[%get3A_32, %get3A_33] : memref<128x128xf32, #tpu.memory_space<vmem>>, vector<128x128xf32>
    %dot_general3A_35 = arith.constant dense<0.000000e+00> : vector<2000x128xf32>
    %dot_general3A_36 = tpu.matmul %get3A_31, %get3A_34, %dot_general3A_35 {dimension_numbers = #tpu.dot_dimension_numbers<[1], [0], [0], [1], [0, 0, 1, 1], [], []>, transpose_lhs_hint = false} : vector<2000x128xf32>, vector<128x128xf32>, vector<2000x128xf32> -> vector<2000x128xf32>
    %add3A_37 = arith.addf %dot_general3A_28, %dot_general3A_36 : vector<2000x128xf32>
    %get3A_38 = arith.constant 0 : index
    %get3A_39 = arith.constant 0 : index
    %get3A_40 = vector.load %arg5[%get3A_38, %get3A_39] : memref<1x128xf32, #tpu.memory_space<vmem>>, vector<1x128xf32>
    %add3A_41 = vector.broadcast %get3A_40 : vector<1x128xf32> to vector<2000x128xf32>
    %add3A_42 = arith.addf %add3A_37, %add3A_41 : vector<2000x128xf32>
    %max3A_43 = arith.constant 0.000000e+00 : f32
    %max3A_44 = vector.broadcast %max3A_43 : f32 to vector<2000x128xf32>
    %max3A_45 = arith.maximumf %add3A_42, %max3A_44 : vector<2000x128xf32>
    %swap3A = arith.constant 0 : index
    %swap3A_46 = arith.constant 0 : index
    %swap3A_47 = vector.load %arg7[%swap3A, %swap3A_46] : memref<2000x128xf32, #tpu.memory_space<vmem>>, vector<2000x128xf32>
    tpu.vector_store %arg7[%swap3A, %swap3A_46], %max3A_45 {strides = array<i32>} : memref<2000x128xf32, #tpu.memory_space<vmem>>, vector<2000x128xf32>,
    %swap3A_48 = arith.constant 0 : index
    %swap3A_49 = arith.constant 0 : index
    %swap3A_50 = vector.load %arg8[%swap3A_48, %swap3A_49] : memref<2000x1xf32, #tpu.memory_space<vmem>>, vector<2000x1xf32>
    tpu.vector_store %arg8[%swap3A_48, %swap3A_49], %div3A_23 {strides = array<i32>} : memref<2000x1xf32, #tpu.memory_space<vmem>>, vector<2000x1xf32>,
    return
  }
  func.func @transform_0(%arg0: i32) -> (i32, i32, i32) {
    %c0_i32 = arith.constant 0 : i32
    %c0_i32_0 = arith.constant 0 : i32
    %c0_i32_1 = arith.constant 0 : i32
    return %c0_i32, %arg0, %c0_i32_0 : i32, i32, i32
  }
  func.func @transform_1(%arg0: i32) -> (i32, i32, i32) {
    %c0_i32 = arith.constant 0 : i32
    %c0_i32_0 = arith.constant 0 : i32
    %c0_i32_1 = arith.constant 0 : i32
    return %c0_i32, %arg0, %c0_i32_0 : i32, i32, i32
  }
  func.func @transform_2(%arg0: i32) -> (i32, i32) {
    %c0_i32 = arith.constant 0 : i32
    %c0_i32_0 = arith.constant 0 : i32
    return %arg0, %c0_i32 : i32, i32
  }
  func.func @transform_3(%arg0: i32) -> (i32, i32) {
    %c0_i32 = arith.constant 0 : i32
    %c0_i32_0 = arith.constant 0 : i32
    %c0_i32_1 = arith.constant 0 : i32
    return %c0_i32, %c0_i32_0 : i32, i32
  }
  func.func @transform_4(%arg0: i32) -> (i32, i32) {
    %c0_i32 = arith.constant 0 : i32
    %c0_i32_0 = arith.constant 0 : i32
    %c0_i32_1 = arith.constant 0 : i32
    return %c0_i32, %c0_i32_0 : i32, i32
  }
  func.func @transform_5(%arg0: i32) -> (i32, i32) {
    %c0_i32 = arith.constant 0 : i32
    %c0_i32_0 = arith.constant 0 : i32
    %c0_i32_1 = arith.constant 0 : i32
    return %c0_i32, %c0_i32_0 : i32, i32
  }
  func.func @transform_6(%arg0: i32) -> (i32, i32) {
    %c0_i32 = arith.constant 0 : i32
    %c0_i32_0 = arith.constant 0 : i32
    return %arg0, %c0_i32 : i32, i32
  }
  func.func @transform_7(%arg0: i32) -> (i32, i32) {
    %c0_i32 = arith.constant 0 : i32
    %c0_i32_0 = arith.constant 0 : i32
    return %arg0, %c0_i32 : i32, i32
  }
}

</mosaic_0001>

<sc_bundles>
// kernel: sc_segsum.3.cloned.1.call-start
scs
__scs_entry_jumppad:
0x0: {  	(pc) =	sbr.rel $0x88, $3  }
0x1: {  	(tag) =	ssettag $0x0;
	lr =	simm.s32 $0x1  }
0x2: {  	[smem:$0x3F99] =	sst lr;
	_ =	strace $0xD0000000  }
0x3: {  	_ = 	snop  }
0x4: {  	_ = 	snop  }
0x5: {  	_ = 	snop  }
0x6: {  	_ = 	snop  }
0x7: {  	_ = 	snop  }
__scs_overlays_trampoline_lowered:
0x8: {  	[smem:$0x3FA8] =	sst s0  }
0x9: {  	[smem:$0x3FA9] =	sst s1  }
0xa: {  	[smem:$0x3FAA] =	sst s2  }
0xb: {  	[smem:$0x3FAB] =	sst s3  }
0xc: {  	[smem:$0x3FAC] =	sst s4  }
0xd: {  	[smem:$0x3FAD] =	sst s5  }
0xe: {  	[smem:$0x3FAE] =	sst s6  }
0xf: {  	[smem:$0x3FAF] =	sst s7  }
0x10: {  	[smem:$0x3FB0] =	sst s8  }
0x11: {  	[smem:$0x3FB1] =	sst s9;
	s0 =	simm.s32 @!p0 $0x0  }
0x12: {  	s1 =	sld [smem:$0x3F97];
	s0 =	simm.s32 @p0 $0x1  }
0x13: {  	[smem:$0x3FB2] =	sst s0;
	s0 =	simm.s32 @!p1 $0x0  }
0x14: {  	s2 =	sld [smem:$0x3F96];
	s0 =	simm.s32 @p1 $0x1  }
0x15: {  	[smem:$0x3FB3] =	sst s0;
	s0 =	simm.s32 @!p2 $0x0  }
0x16: {  	s3 =	sld [smem:$0x3FDB];
	s0 =	simm.s32 @p2 $0x1  }
0x17: {  	s4 =	simm.s32 $0x1BF5;
	[smem:$0x3FB5] =	sst s0  }
0x18: {  	s0 =	sld [smem:$0x3F98];
	_ =	swait.ge [sflag:s4], $0x0  }
0x19: {  	s7 =	sld [smem:$0x3F99]  }
0x1a: {  	s8 =	sadd.s32 $0xFFFFE003, lr  }
0x1b: {  	s9 =	sadd.s32 $0xFFFFFEF7, lr;
	s5 =	simm.s32 $0xFFFFFFFF;
	p2 =	slt.u32 s8, $0xFFFFF086  }
0x1c: {  	p1 =	slt.u32 s9, $0xF7A;
	s5 =	simm.s32 @!p2 $0x0  }
0x1d: {  	s5 =	simm.s32 @p1 $0x1;
	p0 =	seq.s32 s7, s2  }
0x1e: {  	s7 =	smul.u32 @!p0 $0xF7A, s2;
	p2 =	seq.s32 @!p0 s5, $0x0  }
0x1f: {  	s9 =	smul.u32 $0xF7A, s1;
	s8 =	simm.s32 @!p0 $0x1BF5;
	p2 =	por !p2, p0  }
0x20: {  	[sflag:s8] =	ssyncset.s32 @!p0 $0xFFFFF086;
	s6 =	sadd.s32 @!p0 s3, s7;
	s7 =	simm.s32 @!p0 $0x108  }
0x21: {  	s3 =	sadd.s32 s3, s9;
	s6 =	sadd.s32 @!p0 $0x88, s6;
	s7 =	simm.s32 @p2 $0x1082  }
0x22: {  	[simem:s7], [sflag:s8] =	dma.local @!p0 [hbm:s6], $0xF7A  }
0x23: {  	s9 =	sor.u32 $0xD0000000, s2;
	s6 =	simm.s32 $0x108;
	_ =	swait.ge @!p0 [sflag:s8], $0x0  }
0x24: {  	s3 =	sadd.s32 $0x88, s3;
	s6 =	simm.s32 @!p1 $0x1082;
	[sflag:s4] =	ssyncset.s32 $0xFFFFF086  }
0x25: {  	[simem:s6], [sflag:s4] =	dma.local [hbm:s3], $0xF7A  }
0x26: {  	[smem:$0x3F99] =	sst s1;
	(tag) =	ssettag s2;
	_ =	strace s9  }
0x27: {  	s1 =	sld [smem:$0x3FA9]  }
0x28: {  	s2 =	sld [smem:$0x3FAA]  }
0x29: {  	s4 =	sld [smem:$0x3FAC]  }
0x2a: {  	p0 =	seq.s32 s5, $0x0;
	s5 =	sld [smem:$0x3FAD]  }
0x2b: {  	s6 =	sld [smem:$0x3FAE]  }
0x2c: {  	s7 =	sld [smem:$0x3FAF]  }
0x2d: {  	s3 =	simm.s32 $0x108;
	s8 =	sld [smem:$0x3FB0]  }
0x2e: {  	s3 =	simm.s32 @!p0 $0x1082;
	s9 =	sld [smem:$0x3FB1]  }
0x2f: {  	lr =	sadd.s32 s0, s3;
	s0 =	sld [smem:$0x3FA8]  }
0x30: {  	s3 =	sld [smem:$0x3FAB]  }
0x31: {  	[smem:$0x3FB4] =	sst s10  }
0x32: {  	s10 =	sld [smem:$0x3FB2];
	_ =	sdelay $0x3  }
0x33: {  	p0 =	seq.s32 s10, $0x1;
	s10 =	sld [smem:$0x3FB4];
	_ =	sdelay $0x3  }
0x34: {  	[smem:$0x3FB4] =	sst s10  }
0x35: {  	s10 =	sld [smem:$0x3FB3];
	_ =	sdelay $0x3  }
0x36: {  	p1 =	seq.s32 s10, $0x1;
	s10 =	sld [smem:$0x3FB4];
	_ =	sdelay $0x3  }
0x37: {  	[smem:$0x3FB4] =	sst s10  }
0x38: {  	s10 =	sld [smem:$0x3FB5]  }
0x39: {  	_ = 	snop;
	(pc) =	sbr.ind lr, $3  }
0x3a: {  	_ = 	snop  }
0x3b: {  	_ = 	snop  }
0x3c: {  	p2 =	seq.s32 s10, $0x1;
	s10 =	sld [smem:$0x3FB4]  }
0x3d: {  	_ =	shalt  }
0x3e: {  	_ =	shalt  }
0x3f: {  	_ =	shalt  }
0x40: {  	_ =	shalt  }
0x41: {  	_ =	shalt  }
0x42: {  	_ =	shalt  }
0x43: {  	_ =	shalt  }
0x44: {  	_ =	shalt  }
0x45: {  	_ =	shalt  }
0x46: {  	_ =	shalt  }
0x47: {  	_ =	shalt  }
0x48: {  	_ =	shalt  }
0x49: {  	_ =	shalt  }
0x4a: {  	_ =	shalt  }
0x4b: {  	_ =	shalt  }
0x4c: {  	_ =	shalt  }
0x4d: {  	_ =	shalt  }
0x4e: {  	_ =	shalt  }
0x4f: {  	_ =	shalt  }
0x50: {  	_ =	shalt  }
0x51: {  	_ =	shalt  }
0x52: {  	_ =	shalt  }
0x53: {  	_ =	shalt  }
0x54: {  	_ =	shalt  }
0x55: {  	_ =	shalt  }
0x56: {  	_ =	shalt  }
0x57: {  	_ =	shalt  }
0x58: {  	_ =	shalt  }
0x59: {  	_ =	shalt  }
0x5a: {  	_ =	shalt  }
0x5b: {  	_ =	shalt  }
0x5c: {  	_ =	shalt  }
0x5d: {  	_ =	shalt  }
0x5e: {  	_ =	shalt  }
0x5f: {  	_ =	shalt  }
0x60: {  	_ =	shalt  }
0x61: {  	_ =	shalt  }
0x62: {  	_ =	shalt  }
0x63: {  	_ =	shalt  }
0x64: {  	_ =	shalt  }
0x65: {  	_ =	shalt  }
0x66: {  	_ =	shalt  }
0x67: {  	_ =	shalt  }
0x68: {  	_ =	shalt  }
0x69: {  	_ =	shalt  }
0x6a: {  	_ =	shalt  }
0x6b: {  	_ =	shalt  }
0x6c: {  	_ =	shalt  }
0x6d: {  	_ =	shalt  }
0x6e: {  	_ =	shalt  }
0x6f: {  	_ =	shalt  }
0x70: {  	_ =	shalt  }
0x71: {  	_ =	shalt  }
0x72: {  	_ =	shalt  }
0x73: {  	_ =	shalt  }
0x74: {  	_ =	shalt  }
0x75: {  	_ =	shalt  }
0x76: {  	_ =	shalt  }
0x77: {  	_ =	shalt  }
0x78: {  	_ =	shalt  }
0x79: {  	_ =	shalt  }
0x7a: {  	_ =	shalt  }
0x7b: {  	_ =	shalt  }
0x7c: {  	_ =	shalt  }
0x7d: {  	_ =	shalt  }
0x7e: {  	_ =	shalt  }
0x7f: {  	_ =	shalt  }
0x80: {  	_ =	shalt  }
0x81: {  	_ =	shalt  }
0x82: {  	_ =	shalt  }
0x83: {  	_ =	shalt  }
0x84: {  	_ =	shalt  }
0x85: {  	_ =	shalt  }
0x86: {  	_ =	shalt  }
0x87: {  	_ =	shalt  }
.Lfunc_end0:
.L_simem_size_0:
called_computation.1_lowered:
.L_overlay_start_0:
0x88: {  	s2 =	sld [smem:$0x3FD9]  }
0x89: {  	s3 =	sld [smem:$0x3FFE];
	_ =	sdelay $0x1  }
0x8a: {  	s1 =	srdreg.scid  }
0x8b: {  	s0 =	sand.u32 $0x1, s1  }
0x8c: {  	s17 =	sshll.u32 s0, $0xA;
	s2 =	sadd.s32 s3, s2  }
0x8d: {  	s2 =	sadd.s32 s2, s17  }
0x8e: {  	[smem:$0x3FC0] =	sst s2  }
0x8f: {  	_ = 	snop  }
0x90: {  	s2 =	sld [smem:$0x3FD0];
	(tm) =	ssettm $0x1  }
0x91: {  	s18 =	sld [smem:$0x3FFB];
	_ =	sdelay $0x3  }
0x92: {  	_ =	strace s18  }
0x93: {  	s3 =	sld [smem:$0x3FFC];
	_ =	sdelay $0x3  }
0x94: {  	_ =	strace s3  }
0x95: {  	s3 =	sld [smem:$0x3FFD];
	_ =	sdelay $0x3  }
0x96: {  	_ =	strace s3  }
0x97: {  	_ =	strace $0x8FFFFFFF  }
0x98: {  	s19 =	sld [smem:$0x3FDB];
	_ =	sdelay $0x1  }
0x99: {  	s4 =	simm.s32 $_scs_section_size  }
0x9a: {  	s5 =	simm.s32 $_size__tile_overlayer_lowered;
	s6 =	simm.s32 $_tile_overlayer_lowered  }
0x9b: {  	s22 =	simm.s32 $0x1BFF;
	s21 =	sshll.u32 s6, $0x1;
	s3 =	sadd.s32 s4, s19  }
0x9c: {  	s7 =	simm.s32 $0x0;
	s20 =	sshll.u32 s5, $0x1;
	s5 =	sadd.s32 s21, s3  }
0x9d: {  	[timem:s7], [sflag:s22] =	dma.local [hbm:s5], s20  }
0x9e: {  	_ =	swait.ge [sflag:s22], s20  }
0x9f: {  	s4 =	ssub.s32 $0x0, s20;
	[sflag:s22] =	ssyncset.done $0x0  }
0xa0: {  	[sflag:s22] =	ssyncadd.s32 s4;
	_ =	sdelay $0x1  }
0xa1: {  	s23 =	simm.s32 $0x1B8B  }
0xa2: {  	_ =	swait.ge [sflag:s23], $0x1  }
0xa3: {  	[sflag:s23] =	ssyncset.done $0x0  }
0xa4: {  	s25 =	simm.s32 $0x1B8E;
	s24 =	sld [smem:$0x3FFE];
	[sflag:s23] =	ssyncadd.s32 $0xFFFFFFFF  }
0xa5: {  	s26 =	simm.s32 $execute0_lowered;
	[smem:$0x3FD2] =	sst s25  }
0xa6: {  	s5 =	sshll.u32 s26, $0x1;
	_ =	strace $0x80000049;
	[dreg:$0x1] =	wrdreg $0xFFFFFFFF  }
0xa7: {  	s28 =	simm.s32 $_size_execute0_lowered;
	s3 =	sadd.s32 s3, s5;
	[dreg:$0x0] =	wrdreg $0x0  }
0xa8: {  	s5 =	sshll.u32 s28, $0x1;
	[dreg:$0x2] =	wrdreg s3  }
0xa9: {  	[dreg:$0x3] =	wrdreg s5  }
0xaa: {  	[dreg:$0x4] =	wrdreg $0xC0  }
0xab: {  	_ =	task [dreg:s7], $0x5FFFF  }
0xac: {  	[dreg:$0x1] =	wrdreg $0xFFFFFFFF  }
0xad: {  	[dreg:$0x0] =	wrdreg $0x60  }
0xae: {  	[dreg:$0x2] =	wrdreg s2  }
0xaf: {  	[dreg:$0x3] =	wrdreg s24  }
0xb0: {  	[dreg:$0x4] =	wrdreg $0xA1000  }
0xb1: {  	[dreg:$0x5] =	wrdreg $0x9  }
0xb2: {  	_ =	task.clear_ibuf [dreg:s7], $0x6FFFF;
	_ =	strace $0x90000049  }
0xb3: {  	s29 =	simm.s32 $0x9;
	_ =	strace $0x8000004B  }
0xb4: {  	_ =	swait.ge [sflag:s29], $0x1  }
0xb5: {  	[sflag:s29] =	ssyncadd.s32 $0xFFFFFFFF  }
0xb6: {  	_ =	strace $0x9000004B  }
0xb7: {  	_ =	sfence  }
0xb8: {  	s30 =	sld [smem:$0x0];
	_ =	sdelay $0x2  }
0xb9: {  	s31 =	sshll.u32 s1, $0xD;
	s1 =	sshrl.u32 s1, $0x2  }
0xba: {  	s3 =	sand.u32 $0x4000, s31;
	s1 =	sadd.s32 s1, s30  }
0xbb: {  	s0 =	sor.u32 s3, s0;
	s1 =	sshll.u32 s1, $0x11  }
0xbc: {  	s0 =	sor.u32 s1, s0  }
0xbd: {  	s0 =	sadd.s32 $0x8F2B, s0  }
0xbe: {  	[sflag:s0] =	ssyncadd.remote.s32 $0x1  }
0xbf: {  	_ =	sfence.sel $0xFFFF  }
0xc0: {  	[dreg:$0x0] =	wrdreg $0xFFFFFFFF;
	(pc) =	sbr.abs _section_cstart, $3  }
0xc1: {  	[dreg:$0x1] =	wrdreg $0xFFFFFFFF  }
0xc2: {  	_ =	task.clear_ibuf [dreg:s7], $0x2FFFF;
	_ =	strace $0x9FFFFFFF  }
0xc3: {  	(tm) =	ssettm $0x7FFFFFFF  }
tec
execute0_lowered:
.L_overlay_start_1:
0x0: {  	(tag) =	ssettag $0x1  }
0x1: {  	s1 =	rddreg [dreg:$0x0]  }
0x2: {  	s0 =	rddreg [dreg:$0x1]  }
0x3: {  	s2 =	rddreg [dreg:$0x2]  }
0x4: {  	s3 =	srdreg.scid;
	s5 =	simm.s32 $0x0;
	s9 =	stileid.u32  }
0x5: {  	s28 =	simm.s32 $0x7900;
	s29 =	simm.s32 $0x4;
	s30 =	simm.s32 $0x5  }
0x6: {  	s31 =	simm.s32 $0x6;
	s3 =	sand.u32 $0x1, s3;
	s14 =	smul.u32 $0x14000, s9  }
0x7: {  	[smem:$0x7FF] =	sst s5;
	s20 =	sadd.s32 $0x2800, s0;
	s7 =	smul.u32 $0x50000, s9  }
0x8: {  	s4 =	smul.u32 $0x140000, s3;
	s6 =	sshll.u32 s3, $0x4;
	_ =	strace $0x8000004A  }
0x9: {  	s16 =	ssub.s32 $0x2, s3;
	s3 =	smul.u32 $0x27100, s3;
	s6 =	sor.u32 s9, s6  }
0xa: {  	s17 =	sshrl.u32 s16, $0x1;
	s8 =	sshrl.u32 s7, $0x2;
	s4 =	sadd.s32 s14, s4  }
0xb: {  	s15 =	smul.u32 $0x2710, s6;
	s8 =	sadd.s32 s8, s2;
	s4 =	sshrl.u32 s4, $0x3  }
0xc: {  	s21 =	sadd.s32 $0x2800, s8;
	s22 =	sadd.s32 $0x5000, s8;
	s23 =	sadd.s32 $0x7800, s8  }
0xd: {  	s24 =	sadd.s32 $0xA000, s8;
	s13 =	sadd.s32 $0xC800, s8;
	[dreg:$0x6] =	wrdreg s21  }
0xe: {  	s14 =	sadd.s32 $0xF000, s8;
	s5 =	sshrl.u32 s15, $0x3;
	[dreg:$0x7] =	wrdreg s22  }
0xf: {  	s0 =	sadd.s32 s4, s0;
	[dreg:$0x8] =	wrdreg s23;
	s5 =	sadd.s32 s20, s5  }
0x10: {  	s4 =	ssub.s32 s16, s17;
	[dreg:$0x9] =	wrdreg s24;
	s18 =	sadd.s32 $0x9C40, s5  }
0x11: {  	s15 =	sadd.s32 $0x11800, s8;
	[dreg:$0x4] =	wrdreg s18;
	s18 =	smul.u32 $0x2710, s9  }
0x12: {  	s21 =	simm.s32 $0x1;
	s23 =	simm.s32 $0x50;
	s16 =	sadd.s32 $0x16200, s0  }
0x13: {  	s17 =	smax.u32 s4, $0x1;
	s19 =	sadd.s32 $0x9C4A, s5;
	s25 =	sadd.s32 s18, s3  }
0x14: {  	[dreg:$0x5] =	wrdreg s19;
	s3 =	sadd.s32 $0x4E340, s25;
	s26 =	sadd.s32 $0x4E2F0, s25  }
0x15: {  	s0 =	sadd.s32 $0x4E2A0, s25;
	s3 =	sshrl.u32 s3, $0x3;
	s4 =	sshrl.u32 s26, $0x3  }
0x16: {  	s0 =	sshrl.u32 s0, $0x3;
	s18 =	sadd.s32 s3, s20;
	s19 =	sadd.s32 s4, s20  }
0x17: {  	v0 =	vimm.f32 $0.0e+00;
	s20 =	sadd.s32 s0, s20;
	s0 =	simm.s32 $0x7;
	s4 =	simm.s32 $0x0  }
.LBB2_1:
0x18: {  	s3 =	simm.s32 $0x0  }
0x19: {  	[tilespmem:s3], [sflag:$0x1] =	stream.linear.gather [hbm4b:s5+s3], $0x2710, $0x38;
	[tilespmem:$0x1E100] =	vst v63  }
0x1a: {  	s22 =	simm.s32 $0x200;
	s3 =	simm.s32 $0x0  }
.LBB2_2:
0x1b: {  	p0 =	sne.s32 s22, $0x9E00;
	[tilespmem:s3+$0x7970] =	vst v0  }
0x1c: {  	[tilespmem:s3+$0x7900] =	vst v0  }
0x1d: {  	[tilespmem:s3+$0x7910] =	vst v0  }
.Ltmp0:
0x1e: {  	[tilespmem:s3+$0x7920] =	vst v0;
	(pc) =	sbr.rel @p0 .LBB2_2-.Ltmp0, $4  }
0x1f: {  	[tilespmem:s3+$0x7930] =	vst v0  }
0x20: {  	[tilespmem:s3+$0x7940] =	vst v0  }
0x21: {  	[tilespmem:s3+$0x7950] =	vst v0  }
0x22: {  	[tilespmem:s3+$0x7960] =	vst v0;
	s3 =	sshra.s32 s22, $0x2;
	s22 =	sadd.s32 $0x200, s22  }
0x23: {  	[tilespmem:s3+$0x7970] =	vst v0  }
0x24: {  	[tilespmem:s3+$0x7900] =	vst v0  }
0x25: {  	[tilespmem:s3+$0x7910] =	vst v0  }
0x26: {  	[tilespmem:s3+$0x7920] =	vst v0  }
0x27: {  	[tilespmem:s3+$0x7930] =	vst v0  }
0x28: {  	[tilespmem:s3+$0x7940] =	vst v0  }
0x29: {  	[tilespmem:s3+$0x7950] =	vst v0  }
0x2a: {  	[tilespmem:s3+$0x7960] =	vst v0  }
0x2b: {  	_ =	swait.ge [sflag:s21], $0x2710  }
0x2c: {  	s3 =	simm.s32 $0x0;
	[sflag:s21] =	ssyncset.done $0x0  }
0x2d: {  	s7 =	simm.s32 $0x2780;
	s6 =	rddreg [dreg:$0x4];
	[sflag:s21] =	ssyncadd.s32 $0xFFFFD8F0  }
0x2e: {  	[tilespmem:s7], [sflag:$0x1] =	stream.linear.gather [hbm4b:s6+s3], $0x50, $0x38;
	[tilespmem:$0x1E100] =	vst v63  }
0x2f: {  	s9 =	simm.s32 $0x2900  }
0x30: {  	[tilespmem:s9], [sflag:$0x1] =	stream.indirect.gather [hbm4b:s1+s23], $0x80, s3, s23, $0xb8;
	[tilespmem:$0x1E100] =	vst v63  }
0x31: {  	s11 =	simm.s32 $0x2800;
	s10 =	rddreg [dreg:$0x5]  }
0x32: {  	[tilespmem:s11], [sflag:$0x2] =	stream.linear.gather [hbm4b:s10+s3], $0x50, $0x38;
	[tilespmem:$0x1E100] =	vst v63  }
0x33: {  	s12 =	simm.s32 $0x5100  }
0x34: {  	[tilespmem:s12], [sflag:$0x2] =	stream.indirect.gather [hbm4b:s1+s23], $0x80, s23, s23, $0xb8;
	[tilespmem:$0x1E100] =	vst v63  }
0x35: {  	_ = 	snop  }
0x36: {  	[spmem:s8] =	stream.linear.scatter [tilespmem:s28], [sflag:$0x4], $0x2800, $0x38;
	[tilespmem:$0x1E100] =	vst v63  }
0x37: {  	s22 =	rddreg [dreg:$0x6]  }
0x38: {  	[spmem:s22] =	stream.linear.scatter [tilespmem:s28], [sflag:$0x4], $0x2800, $0x38;
	[tilespmem:$0x1E100] =	vst v63  }
0x39: {  	s24 =	rddreg [dreg:$0x7]  }
0x3a: {  	[spmem:s24] =	stream.linear.scatter [tilespmem:s28], [sflag:$0x4], $0x2800, $0x38;
	[tilespmem:$0x1E100] =	vst v63  }
0x3b: {  	s25 =	rddreg [dreg:$0x8]  }
0x3c: {  	[spmem:s25] =	stream.linear.scatter [tilespmem:s28], [sflag:$0x4], $0x2800, $0x38;
	[tilespmem:$0x1E100] =	vst v63  }
0x3d: {  	s26 =	rddreg [dreg:$0x9]  }
0x3e: {  	[spmem:s26] =	stream.linear.scatter [tilespmem:s28], [sflag:$0x4], $0x2800, $0x38;
	[tilespmem:$0x1E100] =	vst v63  }
0x3f: {  	_ = 	snop  }
0x40: {  	[spmem:s13] =	stream.linear.scatter [tilespmem:s28], [sflag:$0x4], $0x2800, $0x38;
	[tilespmem:$0x1E100] =	vst v63  }
0x41: {  	_ = 	snop  }
0x42: {  	[spmem:s14] =	stream.linear.scatter [tilespmem:s28], [sflag:$0x4], $0x2800, $0x38;
	[tilespmem:$0x1E100] =	vst v63  }
0x43: {  	_ = 	snop  }
0x44: {  	[spmem:s15] =	stream.linear.scatter [tilespmem:s28], [sflag:$0x4], $0x2800, $0x38;
	[tilespmem:$0x1E100] =	vst v63  }
0x45: {  	_ =	swait.ge [sflag:s29], $0x2800  }
0x46: {  	[sflag:s29] =	ssyncset.done $0x0  }
0x47: {  	[sflag:s29] =	ssyncadd.s32 $0xFFFFD800  }
0x48: {  	_ =	swait.ge [sflag:s29], $0x2800  }
0x49: {  	[sflag:s29] =	ssyncset.done $0x0  }
0x4a: {  	[sflag:s29] =	ssyncadd.s32 $0xFFFFD800  }
0x4b: {  	_ =	swait.ge [sflag:s29], $0x2800  }
0x4c: {  	[sflag:s29] =	ssyncset.done $0x0  }
0x4d: {  	[sflag:s29] =	ssyncadd.s32 $0xFFFFD800  }
0x4e: {  	_ =	swait.ge [sflag:s29], $0x2800  }
0x4f: {  	[sflag:s29] =	ssyncset.done $0x0  }
0x50: {  	[sflag:s29] =	ssyncadd.s32 $0xFFFFD800  }
0x51: {  	_ =	swait.ge [sflag:s29], $0x2800  }
0x52: {  	[sflag:s29] =	ssyncset.done $0x0  }
0x53: {  	[sflag:s29] =	ssyncadd.s32 $0xFFFFD800  }
0x54: {  	_ =	swait.ge [sflag:s29], $0x2800  }
0x55: {  	[sflag:s29] =	ssyncset.done $0x0  }
0x56: {  	[sflag:s29] =	ssyncadd.s32 $0xFFFFD800  }
0x57: {  	_ =	swait.ge [sflag:s29], $0x2800  }
0x58: {  	[sflag:s29] =	ssyncset.done $0x0  }
0x59: {  	[sflag:s29] =	ssyncadd.s32 $0xFFFFD800  }
0x5a: {  	_ =	swait.ge [sflag:s29], $0x2800  }
0x5b: {  	[sflag:s29] =	ssyncset.done $0x0  }
0x5c: {  	[sflag:s29] =	ssyncadd.s32 $0xFFFFD800  }
0x5d: {  	s22 =	simm.s32 $0x140;
	s24 =	simm.s32 $0x0;
	[bflag:$0x0] =	sbarrier.arrive $0xFFFF  }
.LBB2_4:
0x5e: {  	p0 =	seq.s32 s3, $0x4EC  }
0x5f: {  	s25 =	simm.s32 @!p0 $0x1  }
0x60: {  	_ =	swait.ge @!p0 [sflag:s25], $0x50  }
0x61: {  	[sflag:s25] =	ssyncset.done @!p0 $0x0  }
0x62: {  	[sflag:s25] =	ssyncadd.s32 @!p0 $0xFFFFFFB0  }
0x63: {  	s26 =	simm.s32 @!p0 $0x2780;
	_ =	swait.ge @!p0 [sflag:s25], $0x2800  }
0x64: {  	s6 =	simm.s32 @!p0 $0x2900;
	p2 =	sgt.u32 @!p0 s24, $0x28;
	[sflag:s25] =	ssyncset.done @!p0 $0x0  }
0x65: {  	p1 =	por !p2, p0;
	[sflag:s25] =	ssyncadd.s32 @!p0 $0xFFFFD800;
	s25 =	simm.s32 @!p0 $0x50  }
0x66: {  	[spmem:s2] =	stream.indirect.scatter.add.f32 @!p0 [tilespmem:s6], [sflag:$0x4], $0x80, s26, s25, $0xb8;
	[tilespmem:$0x1E100] =	vst v63  }
0x67: {  	s6 =	simm.s32 @!p1 $0x2  }
0x68: {  	_ =	swait.ge @!p1 [sflag:s6], $0x50  }
0x69: {  	[sflag:s6] =	ssyncset.done @!p1 $0x0  }
0x6a: {  	[sflag:s6] =	ssyncadd.s32 @!p1 $0xFFFFFFB0  }
0x6b: {  	_ =	swait.ge @!p1 [sflag:s6], $0x2800  }
0x6c: {  	s25 =	simm.s32 @!p1 $0x2800;
	[sflag:s6] =	ssyncset.done @!p1 $0x0  }
0x6d: {  	s26 =	simm.s32 @!p1 $0x5100;
	[sflag:s6] =	ssyncadd.s32 @!p1 $0xFFFFD800;
	s6 =	simm.s32 @!p1 $0x50  }
0x6e: {  	[spmem:s2] =	stream.indirect.scatter.add.f32 @!p1 [tilespmem:s26], [sflag:$0x5], $0x80, s25, s6, $0xb8;
	[tilespmem:$0x1E100] =	vst v63  }
0x6f: {  	p1 =	por p2, p0  }
0x70: {  	p3 =	seq.s32 @!p1 s3, $0x0  }
0x71: {  	p2 =	por @!p0 p3, p2  }
0x72: {  	p2 =	por p2, p0  }
0x73: {  	s6 =	simm.s32 @!p2 $0x6  }
0x74: {  	_ =	swait.ge @!p2 [sflag:s6], $0x2800  }
0x75: {  	s25 =	simm.s32 @!p1 $0x0;
	[sflag:s6] =	ssyncset.done @!p2 $0x0  }
0x76: {  	s26 =	simm.s32 @!p1 $0x2880;
	[sflag:s6] =	ssyncadd.s32 @!p2 $0xFFFFD800;
	s6 =	sadd.s32 @!p1 s3, s20  }
0x77: {  	[tilespmem:s26], [sflag:$0x3] =	stream.linear.gather @!p1 [hbm4b:s6+s25], $0x50, $0x38;
	[tilespmem:$0x1E100] =	vst v63  }
0x78: {  	s7 =	simm.s32 @!p1 $0x50;
	s9 =	simm.s32 @!p1 $0x7900;
	s6 =	sadd.s32 @!p1 $0xFFFFFF60, s22  }
0x79: {  	[tilespmem:s9], [sflag:$0x3] =	stream.indirect.gather @!p1 [hbm4b:s1+s7], $0x80, s6, s7, $0xb8;
	[tilespmem:$0x1E100] =	vst v63  }
0x7a: {  	s6 =	simm.s32 @!p1 $0x2  }
0x7b: {  	_ =	swait.ge @!p1 [sflag:s6], $0x50  }
0x7c: {  	[sflag:s6] =	ssyncset.done @!p1 $0x0  }
0x7d: {  	[sflag:s6] =	ssyncadd.s32 @!p1 $0xFFFFFFB0  }
0x7e: {  	_ =	swait.ge @!p1 [sflag:s6], $0x2800  }
0x7f: {  	s10 =	simm.s32 @!p1 $0x5100;
	[sflag:s6] =	ssyncset.done @!p1 $0x0  }
0x80: {  	s11 =	simm.s32 @!p1 $0x4;
	[sflag:s6] =	ssyncadd.s32 @!p1 $0xFFFFD800;
	s6 =	simm.s32 @!p1 $0x2800  }
0x81: {  	[spmem:s2] =	stream.indirect.scatter.add.f32 @!p1 [tilespmem:s10], [sflag:$0x5], $0x80, s6, s7, $0xb8;
	[tilespmem:$0x1E100] =	vst v63  }
0x82: {  	_ =	swait.ge @!p1 [sflag:s11], $0x2800  }
0x83: {  	[sflag:s11] =	ssyncset.done @!p1 $0x0  }
0x84: {  	s12 =	simm.s32 @!p1 $0x2780;
	[sflag:s11] =	ssyncadd.s32 @!p1 $0xFFFFD800;
	s11 =	sadd.s32 @!p1 s3, s19  }
0x85: {  	[tilespmem:s12], [sflag:$0x1] =	stream.linear.gather @!p1 [hbm4b:s11+s25], $0x50, $0x38;
	[tilespmem:$0x1E100] =	vst v63  }
0x86: {  	s11 =	sadd.s32 @!p1 $0xFFFFFFB0, s22;
	s12 =	simm.s32 @!p1 $0x2900  }
0x87: {  	[tilespmem:s12], [sflag:$0x1] =	stream.indirect.gather @!p1 [hbm4b:s1+s7], $0x80, s11, s7, $0xb8;
	[tilespmem:$0x1E100] =	vst v63  }
0x88: {  	s11 =	simm.s32 @!p1 $0x3  }
0x89: {  	_ =	swait.ge @!p1 [sflag:s11], $0x50  }
0x8a: {  	[sflag:s11] =	ssyncset.done @!p1 $0x0  }
0x8b: {  	[sflag:s11] =	ssyncadd.s32 @!p1 $0xFFFFFFB0  }
0x8c: {  	_ =	swait.ge @!p1 [sflag:s11], $0x2800  }
0x8d: {  	[sflag:s11] =	ssyncset.done @!p1 $0x0  }
0x8e: {  	[sflag:s11] =	ssyncadd.s32 @!p1 $0xFFFFD800  }
0x8f: {  	[spmem:s2] =	stream.indirect.scatter.add.f32 @!p1 [tilespmem:s9], [sflag:$0x6], $0x80, s26, s7, $0xb8;
	[tilespmem:$0x1E100] =	vst v63  }
0x90: {  	s9 =	simm.s32 @!p1 $0x5  }
0x91: {  	_ =	swait.ge @!p1 [sflag:s9], $0x2800  }
0x92: {  	[sflag:s9] =	ssyncset.done @!p1 $0x0  }
0x93: {  	[sflag:s9] =	ssyncadd.s32 @!p1 $0xFFFFD800;
	s9 =	sadd.s32 @!p1 s3, s18  }
0x94: {  	[tilespmem:s6], [sflag:$0x2] =	stream.linear.gather @!p1 [hbm4b:s9+s25], $0x50, $0x38;
	[tilespmem:$0x1E100] =	vst v63  }
0x95: {  	s3 =	sadd.s32 @!p0 $0x1E, s3  }
0x96: {  	[tilespmem:s10], [sflag:$0x2] =	stream.indirect.gather @!p1 [hbm4b:s1+s7], $0x80, s22, s7, $0xb8;
	[tilespmem:$0x1E100] =	vst v63  }
0x97: {  	p1 =	sne.s32 @!p0 s3, $0x50A  }
0x98: {  	p1 =	por p0, !p1  }
.Ltmp1:
0x99: {  	_ = 	snop;
	(pc) =	sbr.rel @!p1 .LBB2_4-.Ltmp1, $2  }
0x9a: {  	_ =	sdelay $0x2  }
0x9b: {  	s24 =	sadd.s32 @!p0 $0x1, s24;
	s22 =	sadd.s32 @!p0 $0xF0, s22  }
0x9c: {  	_ =	swait.ge [sflag:s29], $0x2800  }
0x9d: {  	[sflag:s29] =	ssyncset.done $0x0  }
0x9e: {  	[sflag:s29] =	ssyncadd.s32 $0xFFFFD800  }
0x9f: {  	_ =	swait.ge [sflag:s30], $0x2800  }
0xa0: {  	[sflag:s30] =	ssyncset.done $0x0  }
0xa1: {  	[sflag:s30] =	ssyncadd.s32 $0xFFFFD800  }
0xa2: {  	s3 =	stileid.u32;
	_ =	swait.ge [sflag:s31], $0x2800  }
0xa3: {  	s6 =	sshrl.u32 s8, $0x3;
	s4 =	sadd.s32 $0x1, s4;
	[sflag:s31] =	ssyncset.done $0x0  }
0xa4: {  	s3 =	sshll.u32 s3, $0x6;
	p0 =	sne.s32 s4, s17;
	[sflag:s31] =	ssyncadd.s32 $0xFFFFD800  }
.Ltmp2:
0xa5: {  	s3 =	sor.u32 $0x1C07, s3;
	[bflag:$0x0] =	sbarrier.arrive $0xFFFF;
	(pc) =	sbr.rel @p0 .LBB2_1-.Ltmp2, $4  }
0xa6: {  	[hbm:s16], [sflag:s3] =	dma.local [spmem:s6], $0x2800  }
0xa7: {  	_ =	swait.ge [sflag:s0], $0x2800  }
0xa8: {  	[sflag:s0] =	ssyncset.done $0x0  }
0xa9: {  	[sflag:s0] =	ssyncadd.s32 $0xFFFFD800  }
0xaa: {  	_ =	sfence.sel $0x180000  }
0xab: {  	[bflag:$0x0] =	sbarrier.arrive $0xFFFF  }
0xac: {  	_ =	strace $0x9000004A  }
0xad: {  	s0 =	stileid.u32;
	[bflag:$0x2] =	sbarrier.arrive $0xFFFF  }
0xae: {  	p0 =	sne.s32 s0, $0x0;
	s0 =	rddreg [dreg:$0x3]  }
0xaf: {  	s0 =	sadd.s32 @!p0 $0x100000, s0  }
0xb0: {  	[sflag:s0] =	ssyncadd.tile.s32 @!p0 $0x1;
	_ =	shalt  }
.Lfunc_end2:
_tile_overlayer_lowered:
.L_overlay_start_2:
0xb1: {  	(tag) =	ssettag $0x2  }
0xb2: {  	s0 =	rddreg [dreg:$0x0];
	s2 =	stileid.u32  }
0xb3: {  	s1 =	rddreg [dreg:$0x1];
	p0 =	sne.s32 s2, $0x0  }
0xb4: {  	s3 =	rddreg [dreg:$0x2];
	[bflag:$0x3] =	sbarrier.arrive $0xFFFF;
	s2 =	simm.s32 @!p0 $0x1C07  }
0xb5: {  	[timem:s3], [sflag:s2] =	dma.local @!p0 [hbm:s0], s1  }
0xb6: {  	s0 =	simm.s32 @!p0 $0x7  }
0xb7: {  	_ =	swait.ge @!p0 [sflag:s0], s1  }
0xb8: {  	s1 =	ssub.s32 @!p0 $0x0, s1;
	[sflag:s0] =	ssyncset.done @!p0 $0x0  }
0xb9: {  	[sflag:s0] =	ssyncadd.s32 @!p0 s1  }
0xba: {  	[bflag:$0x3] =	sbarrier.arrive $0xFFFF  }
0xbb: {  	_ =	shalt  }

// kernel: sc_segsum_cnt.3.cloned.1.call-start
scs
__scs_entry_jumppad:
0x0: {  	(pc) =	sbr.rel $0x88, $3  }
0x1: {  	(tag) =	ssettag $0x0;
	lr =	simm.s32 $0x1  }
0x2: {  	[smem:$0x3F99] =	sst lr;
	_ =	strace $0xD0000000  }
0x3: {  	_ = 	snop  }
0x4: {  	_ = 	snop  }
0x5: {  	_ = 	snop  }
0x6: {  	_ = 	snop  }
0x7: {  	_ = 	snop  }
__scs_overlays_trampoline_lowered:
0x8: {  	[smem:$0x3FA8] =	sst s0  }
0x9: {  	[smem:$0x3FA9] =	sst s1  }
0xa: {  	[smem:$0x3FAA] =	sst s2  }
0xb: {  	[smem:$0x3FAB] =	sst s3  }
0xc: {  	[smem:$0x3FAC] =	sst s4  }
0xd: {  	[smem:$0x3FAD] =	sst s5  }
0xe: {  	[smem:$0x3FAE] =	sst s6  }
0xf: {  	[smem:$0x3FAF] =	sst s7  }
0x10: {  	[smem:$0x3FB0] =	sst s8  }
0x11: {  	[smem:$0x3FB1] =	sst s9;
	s0 =	simm.s32 @!p0 $0x0  }
0x12: {  	s1 =	sld [smem:$0x3F97];
	s0 =	simm.s32 @p0 $0x1  }
0x13: {  	[smem:$0x3FB2] =	sst s0;
	s0 =	simm.s32 @!p1 $0x0  }
0x14: {  	s2 =	sld [smem:$0x3F96];
	s0 =	simm.s32 @p1 $0x1  }
0x15: {  	[smem:$0x3FB3] =	sst s0;
	s0 =	simm.s32 @!p2 $0x0  }
0x16: {  	s3 =	sld [smem:$0x3FDB];
	s0 =	simm.s32 @p2 $0x1  }
0x17: {  	s4 =	simm.s32 $0x1BF5;
	[smem:$0x3FB5] =	sst s0  }
0x18: {  	s0 =	sld [smem:$0x3F98];
	_ =	swait.ge [sflag:s4], $0x0  }
0x19: {  	s7 =	sld [smem:$0x3F99]  }
0x1a: {  	s8 =	sadd.s32 $0xFFFFE003, lr  }
0x1b: {  	s9 =	sadd.s32 $0xFFFFFEF7, lr;
	s5 =	simm.s32 $0xFFFFFFFF;
	p2 =	slt.u32 s8, $0xFFFFF086  }
0x1c: {  	p1 =	slt.u32 s9, $0xF7A;
	s5 =	simm.s32 @!p2 $0x0  }
0x1d: {  	s5 =	simm.s32 @p1 $0x1;
	p0 =	seq.s32 s7, s2  }
0x1e: {  	s7 =	smul.u32 @!p0 $0xF7A, s2;
	p2 =	seq.s32 @!p0 s5, $0x0  }
0x1f: {  	s9 =	smul.u32 $0xF7A, s1;
	s8 =	simm.s32 @!p0 $0x1BF5;
	p2 =	por !p2, p0  }
0x20: {  	[sflag:s8] =	ssyncset.s32 @!p0 $0xFFFFF086;
	s6 =	sadd.s32 @!p0 s3, s7;
	s7 =	simm.s32 @!p0 $0x108  }
0x21: {  	s3 =	sadd.s32 s3, s9;
	s6 =	sadd.s32 @!p0 $0x88, s6;
	s7 =	simm.s32 @p2 $0x1082  }
0x22: {  	[simem:s7], [sflag:s8] =	dma.local @!p0 [hbm:s6], $0xF7A  }
0x23: {  	s9 =	sor.u32 $0xD0000000, s2;
	s6 =	simm.s32 $0x108;
	_ =	swait.ge @!p0 [sflag:s8], $0x0  }
0x24: {  	s3 =	sadd.s32 $0x88, s3;
	s6 =	simm.s32 @!p1 $0x1082;
	[sflag:s4] =	ssyncset.s32 $0xFFFFF086  }
0x25: {  	[simem:s6], [sflag:s4] =	dma.local [hbm:s3], $0xF7A  }
0x26: {  	[smem:$0x3F99] =	sst s1;
	(tag) =	ssettag s2;
	_ =	strace s9  }
0x27: {  	s1 =	sld [smem:$0x3FA9]  }
0x28: {  	s2 =	sld [smem:$0x3FAA]  }
0x29: {  	s4 =	sld [smem:$0x3FAC]  }
0x2a: {  	p0 =	seq.s32 s5, $0x0;
	s5 =	sld [smem:$0x3FAD]  }
0x2b: {  	s6 =	sld [smem:$0x3FAE]  }
0x2c: {  	s7 =	sld [smem:$0x3FAF]  }
0x2d: {  	s3 =	simm.s32 $0x108;
	s8 =	sld [smem:$0x3FB0]  }
0x2e: {  	s3 =	simm.s32 @!p0 $0x1082;
	s9 =	sld [smem:$0x3FB1]  }
0x2f: {  	lr =	sadd.s32 s0, s3;
	s0 =	sld [smem:$0x3FA8]  }
0x30: {  	s3 =	sld [smem:$0x3FAB]  }
0x31: {  	[smem:$0x3FB4] =	sst s10  }
0x32: {  	s10 =	sld [smem:$0x3FB2];
	_ =	sdelay $0x3  }
0x33: {  	p0 =	seq.s32 s10, $0x1;
	s10 =	sld [smem:$0x3FB4];
	_ =	sdelay $0x3  }
0x34: {  	[smem:$0x3FB4] =	sst s10  }
0x35: {  	s10 =	sld [smem:$0x3FB3];
	_ =	sdelay $0x3  }
0x36: {  	p1 =	seq.s32 s10, $0x1;
	s10 =	sld [smem:$0x3FB4];
	_ =	sdelay $0x3  }
0x37: {  	[smem:$0x3FB4] =	sst s10  }
0x38: {  	s10 =	sld [smem:$0x3FB5]  }
0x39: {  	_ = 	snop;
	(pc) =	sbr.ind lr, $3  }
0x3a: {  	_ = 	snop  }
0x3b: {  	_ = 	snop  }
0x3c: {  	p2 =	seq.s32 s10, $0x1;
	s10 =	sld [smem:$0x3FB4]  }
0x3d: {  	_ =	shalt  }
0x3e: {  	_ =	shalt  }
0x3f: {  	_ =	shalt  }
0x40: {  	_ =	shalt  }
0x41: {  	_ =	shalt  }
0x42: {  	_ =	shalt  }
0x43: {  	_ =	shalt  }
0x44: {  	_ =	shalt  }
0x45: {  	_ =	shalt  }
0x46: {  	_ =	shalt  }
0x47: {  	_ =	shalt  }
0x48: {  	_ =	shalt  }
0x49: {  	_ =	shalt  }
0x4a: {  	_ =	shalt  }
0x4b: {  	_ =	shalt  }
0x4c: {  	_ =	shalt  }
0x4d: {  	_ =	shalt  }
0x4e: {  	_ =	shalt  }
0x4f: {  	_ =	shalt  }
0x50: {  	_ =	shalt  }
0x51: {  	_ =	shalt  }
0x52: {  	_ =	shalt  }
0x53: {  	_ =	shalt  }
0x54: {  	_ =	shalt  }
0x55: {  	_ =	shalt  }
0x56: {  	_ =	shalt  }
0x57: {  	_ =	shalt  }
0x58: {  	_ =	shalt  }
0x59: {  	_ =	shalt  }
0x5a: {  	_ =	shalt  }
0x5b: {  	_ =	shalt  }
0x5c: {  	_ =	shalt  }
0x5d: {  	_ =	shalt  }
0x5e: {  	_ =	shalt  }
0x5f: {  	_ =	shalt  }
0x60: {  	_ =	shalt  }
0x61: {  	_ =	shalt  }
0x62: {  	_ =	shalt  }
0x63: {  	_ =	shalt  }
0x64: {  	_ =	shalt  }
0x65: {  	_ =	shalt  }
0x66: {  	_ =	shalt  }
0x67: {  	_ =	shalt  }
0x68: {  	_ =	shalt  }
0x69: {  	_ =	shalt  }
0x6a: {  	_ =	shalt  }
0x6b: {  	_ =	shalt  }
0x6c: {  	_ =	shalt  }
0x6d: {  	_ =	shalt  }
0x6e: {  	_ =	shalt  }
0x6f: {  	_ =	shalt  }
0x70: {  	_ =	shalt  }
0x71: {  	_ =	shalt  }
0x72: {  	_ =	shalt  }
0x73: {  	_ =	shalt  }
0x74: {  	_ =	shalt  }
0x75: {  	_ =	shalt  }
0x76: {  	_ =	shalt  }
0x77: {  	_ =	shalt  }
0x78: {  	_ =	shalt  }
0x79: {  	_ =	shalt  }
0x7a: {  	_ =	shalt  }
0x7b: {  	_ =	shalt  }
0x7c: {  	_ =	shalt  }
0x7d: {  	_ =	shalt  }
0x7e: {  	_ =	shalt  }
0x7f: {  	_ =	shalt  }
0x80: {  	_ =	shalt  }
0x81: {  	_ =	shalt  }
0x82: {  	_ =	shalt  }
0x83: {  	_ =	shalt  }
0x84: {  	_ =	shalt  }
0x85: {  	_ =	shalt  }
0x86: {  	_ =	shalt  }
0x87: {  	_ =	shalt  }
.Lfunc_end0:
.L_simem_size_0:
called_computation_lowered:
.L_overlay_start_0:
0x88: {  	s2 =	sld [smem:$0x3FD9]  }
0x89: {  	s3 =	sld [smem:$0x3FFE];
	_ =	sdelay $0x1  }
0x8a: {  	s1 =	srdreg.scid  }
0x8b: {  	s0 =	sand.u32 $0x1, s1  }
0x8c: {  	s17 =	sshll.u32 s0, $0xA;
	s2 =	sadd.s32 s3, s2  }
0x8d: {  	s2 =	sadd.s32 s2, s17  }
0x8e: {  	[smem:$0x3FC0] =	sst s2  }
0x8f: {  	_ = 	snop  }
0x90: {  	s2 =	sld [smem:$0x3FC9]  }
0x91: {  	s18 =	sld [smem:$0x3FD0];
	(tm) =	ssettm $0x1  }
0x92: {  	s4 =	sld [smem:$0x3FFB];
	_ =	sdelay $0x3  }
0x93: {  	_ =	strace s4  }
0x94: {  	s4 =	sld [smem:$0x3FFC];
	_ =	sdelay $0x3  }
0x95: {  	_ =	strace s4  }
0x96: {  	s4 =	sld [smem:$0x3FFD];
	_ =	sdelay $0x3  }
0x97: {  	_ =	strace s4  }
0x98: {  	_ =	strace $0x8FFFFFFF  }
0x99: {  	s19 =	sld [smem:$0x3FDB];
	_ =	sdelay $0x1  }
0x9a: {  	s5 =	simm.s32 $_scs_section_size  }
0x9b: {  	s6 =	simm.s32 $_size__tile_overlayer_lowered;
	s7 =	simm.s32 $_tile_overlayer_lowered  }
0x9c: {  	s22 =	simm.s32 $0x1BFF;
	s21 =	sshll.u32 s7, $0x1;
	s4 =	sadd.s32 s5, s19  }
0x9d: {  	s8 =	simm.s32 $0x0;
	s20 =	sshll.u32 s6, $0x1;
	s6 =	sadd.s32 s21, s4  }
0x9e: {  	[timem:s8], [sflag:s22] =	dma.local [hbm:s6], s20  }
0x9f: {  	_ =	swait.ge [sflag:s22], s20  }
0xa0: {  	s5 =	ssub.s32 $0x0, s20;
	[sflag:s22] =	ssyncset.done $0x0  }
0xa1: {  	[sflag:s22] =	ssyncadd.s32 s5;
	_ =	sdelay $0x1  }
0xa2: {  	s23 =	simm.s32 $0x1B8B  }
0xa3: {  	_ =	swait.ge [sflag:s23], $0x1  }
0xa4: {  	[sflag:s23] =	ssyncset.done $0x0  }
0xa5: {  	s25 =	simm.s32 $0x1B8E;
	s24 =	sld [smem:$0x3FFE];
	[sflag:s23] =	ssyncadd.s32 $0xFFFFFFFF  }
0xa6: {  	s26 =	simm.s32 $execute0_lowered;
	[smem:$0x3FD2] =	sst s25  }
0xa7: {  	s6 =	sshll.u32 s26, $0x1;
	_ =	strace $0x80000046;
	[dreg:$0x1] =	wrdreg $0xFFFFFFFF  }
0xa8: {  	s28 =	simm.s32 $_size_execute0_lowered;
	s4 =	sadd.s32 s4, s6;
	[dreg:$0x0] =	wrdreg $0x0  }
0xa9: {  	s6 =	sshll.u32 s28, $0x1;
	[dreg:$0x2] =	wrdreg s4  }
0xaa: {  	[dreg:$0x3] =	wrdreg s6  }
0xab: {  	[dreg:$0x4] =	wrdreg $0xC0  }
0xac: {  	_ =	task [dreg:s8], $0x5FFFF  }
0xad: {  	[dreg:$0x1] =	wrdreg $0xFFFFFFFF  }
0xae: {  	[dreg:$0x0] =	wrdreg $0x60  }
0xaf: {  	[dreg:$0x2] =	wrdreg s2  }
0xb0: {  	[dreg:$0x3] =	wrdreg s24  }
0xb1: {  	[dreg:$0x4] =	wrdreg s18  }
0xb2: {  	[dreg:$0x5] =	wrdreg $0xA1000  }
0xb3: {  	[dreg:$0x6] =	wrdreg $0x1E4000  }
0xb4: {  	[dreg:$0x7] =	wrdreg $0x9  }
0xb5: {  	_ =	task.clear_ibuf [dreg:s8], $0x8FFFF;
	_ =	strace $0x90000046  }
0xb6: {  	s29 =	simm.s32 $0x9;
	_ =	strace $0x80000048  }
0xb7: {  	_ =	swait.ge [sflag:s29], $0x1  }
0xb8: {  	[sflag:s29] =	ssyncadd.s32 $0xFFFFFFFF  }
0xb9: {  	_ =	strace $0x90000048  }
0xba: {  	_ =	sfence  }
0xbb: {  	s30 =	sld [smem:$0x0];
	_ =	sdelay $0x2  }
0xbc: {  	s31 =	sshll.u32 s1, $0xD;
	s1 =	sshrl.u32 s1, $0x2  }
0xbd: {  	s3 =	sand.u32 $0x4000, s31;
	s1 =	sadd.s32 s1, s30  }
0xbe: {  	s0 =	sor.u32 s3, s0;
	s1 =	sshll.u32 s1, $0x11  }
0xbf: {  	s0 =	sor.u32 s1, s0  }
0xc0: {  	s0 =	sadd.s32 $0x8F2B, s0  }
0xc1: {  	[sflag:s0] =	ssyncadd.remote.s32 $0x1  }
0xc2: {  	_ =	sfence.sel $0xFFFF  }
0xc3: {  	[dreg:$0x0] =	wrdreg $0xFFFFFFFF;
	(pc) =	sbr.abs _section_cstart, $3  }
0xc4: {  	[dreg:$0x1] =	wrdreg $0xFFFFFFFF  }
0xc5: {  	_ =	task.clear_ibuf [dreg:s8], $0x2FFFF;
	_ =	strace $0x9FFFFFFF  }
0xc6: {  	(tm) =	ssettm $0x7FFFFFFF  }
0xc7: {  	_ =	shalt  }
tec
execute0_lowered:
.L_overlay_start_1:
0x0: {  	(tag) =	ssettag $0x1  }
0x1: {  	s1 =	rddreg [dreg:$0x0]  }
0x2: {  	s0 =	rddreg [dreg:$0x1]  }
0x3: {  	s3 =	rddreg [dreg:$0x2]  }
0x4: {  	s2 =	rddreg [dreg:$0x3]  }
0x5: {  	s4 =	rddreg [dreg:$0x4]  }
0x6: {  	s5 =	srdreg.scid;
	s12 =	stileid.u32;
	s9 =	simm.s32 $0x0  }
0x7: {  	s31 =	simm.s32 $0x7900;
	s28 =	simm.s32 $0x7;
	s29 =	simm.s32 $0x5  }
0x8: {  	s30 =	simm.s32 $0x8;
	s5 =	sand.u32 $0x1, s5;
	s7 =	smul.u32 $0x14000, s12  }
0x9: {  	[smem:$0x7FF] =	sst s9;
	s9 =	sadd.s32 $0x2800, s0;
	s6 =	smul.u32 $0x140000, s5  }
0xa: {  	s26 =	smul.u32 $0x50000, s12;
	s8 =	sshll.u32 s5, $0x4;
	s10 =	ssub.s32 $0x2, s5  }
0xb: {  	s8 =	sor.u32 s12, s8;
	s13 =	sshrl.u32 s10, $0x1;
	s6 =	sadd.s32 s7, s6  }
0xc: {  	s25 =	smul.u32 $0x2710, s8;
	s8 =	sshrl.u32 s26, $0x2;
	s7 =	ssub.s32 s10, s13  }
0xd: {  	s19 =	smul.u32 $0xA00, s12;
	s8 =	sadd.s32 s8, s2;
	s24 =	smax.u32 s7, $0x1  }
0xe: {  	_ =	strace $0x80000047;
	s15 =	sadd.s32 $0x2800, s8;
	[dreg:$0x12] =	wrdreg s24  }
0xf: {  	s10 =	sshrl.u32 s19, $0x2;
	s16 =	sadd.s32 $0x5000, s8;
	[dreg:$0x9] =	wrdreg s15  }
0x10: {  	s6 =	sshrl.u32 s6, $0x3;
	s17 =	sadd.s32 $0x7800, s8;
	[dreg:$0xa] =	wrdreg s16  }
0x11: {  	s7 =	simm.s32 $0x0;
	s18 =	sadd.s32 $0xA000, s8;
	[dreg:$0xb] =	wrdreg s17  }
0x12: {  	s0 =	sadd.s32 s6, s0;
	s20 =	sadd.s32 $0xC800, s8;
	[dreg:$0xc] =	wrdreg s18  }
0x13: {  	s11 =	sshrl.u32 s25, $0x3;
	s21 =	sadd.s32 $0xF000, s8;
	[dreg:$0xd] =	wrdreg s20  }
0x14: {  	s22 =	sadd.s32 $0x11800, s8;
	s6 =	sadd.s32 s9, s11;
	[dreg:$0xe] =	wrdreg s21  }
0x15: {  	s11 =	smul.u32 $0x500, s12;
	[dreg:$0xf] =	wrdreg s22;
	s17 =	sshll.u32 s5, $0x7  }
0x16: {  	s5 =	smul.u32 $0x27100, s5;
	s0 =	sadd.s32 $0x16200, s0;
	[dreg:$0x6] =	wrdreg s6  }
0x17: {  	s21 =	smul.u32 $0x2710, s12;
	s14 =	sadd.s32 $0x9C40, s6;
	[dreg:$0x10] =	wrdreg s0  }
0x18: {  	s24 =	simm.s32 $0x1;
	s6 =	sadd.s32 $0x9C4A, s6;
	[dreg:$0x7] =	wrdreg s14  }
0x19: {  	[dreg:$0x8] =	wrdreg s6;
	s11 =	sor.u32 s17, s11;
	s25 =	sadd.s32 s21, s5  }
0x1a: {  	s17 =	sadd.s32 s10, s4;
	s23 =	sshrl.u32 s11, $0x3;
	s26 =	sadd.s32 $0x4E340, s25  }
0x1b: {  	s5 =	sadd.s32 $0x4E2F0, s25;
	s0 =	sadd.s32 s3, s23;
	s3 =	sshrl.u32 s26, $0x3  }
0x1c: {  	s5 =	sshrl.u32 s5, $0x3;
	s26 =	simm.s32 $0x50;
	[dreg:$0x11] =	wrdreg s0  }
0x1d: {  	s0 =	sadd.s32 $0x4E2A0, s25;
	s21 =	sadd.s32 s3, s9;
	s22 =	sadd.s32 s5, s9  }
0x1e: {  	s5 =	simm.s32 $0xA;
	s25 =	simm.s32 $0x4;
	s0 =	sshrl.u32 s0, $0x3  }
0x1f: {  	v0 =	vimm.f32 $0.0e+00;
	v1 =	vimm.f32 $1.000000000e+00;
	s3 =	simm.s32 $0x9;
	s23 =	sadd.s32 s0, s9;
	s0 =	simm.s32 $0x6  }
.LBB2_1:
0x20: {  	s6 =	simm.s32 $0x0;
	s9 =	rddreg [dreg:$0x6]  }
0x21: {  	[tilespmem:s6], [sflag:$0x1] =	stream.linear.gather [hbm4b:s9+s6], $0x2710, $0x38;
	[tilespmem:$0x1E680] =	vst v63  }
0x22: {  	s10 =	simm.s32 $0x200;
	s9 =	simm.s32 $0x0  }
.LBB2_2:
0x23: {  	p0 =	sne.s32 s10, $0x9E00;
	[tilespmem:s9+$0x7970] =	vst v0  }
0x24: {  	[tilespmem:s9+$0x7900] =	vst v0  }
0x25: {  	[tilespmem:s9+$0x7910] =	vst v0  }
.Ltmp0:
0x26: {  	[tilespmem:s9+$0x7920] =	vst v0;
	(pc) =	sbr.rel @p0 .LBB2_2-.Ltmp0, $4  }
0x27: {  	[tilespmem:s9+$0x7930] =	vst v0  }
0x28: {  	[tilespmem:s9+$0x7940] =	vst v0  }
0x29: {  	[tilespmem:s9+$0x7950] =	vst v0  }
0x2a: {  	[tilespmem:s9+$0x7960] =	vst v0;
	s9 =	sshra.s32 s10, $0x2;
	s10 =	sadd.s32 $0x200, s10  }
0x2b: {  	[tilespmem:s9+$0x7970] =	vst v0  }
0x2c: {  	[tilespmem:s9+$0x7900] =	vst v0  }
0x2d: {  	[tilespmem:s9+$0x7910] =	vst v0  }
0x2e: {  	[tilespmem:s9+$0x7920] =	vst v0  }
0x2f: {  	[tilespmem:s9+$0x7930] =	vst v0  }
0x30: {  	[tilespmem:s9+$0x7940] =	vst v0  }
0x31: {  	[tilespmem:s9+$0x7950] =	vst v0  }
0x32: {  	[tilespmem:s9+$0x7960] =	vst v0  }
0x33: {  	[tilespmem:$0x1E100] =	vst v1  }
0x34: {  	[tilespmem:$0x1E110] =	vst v1  }
0x35: {  	[tilespmem:$0x1E120] =	vst v1  }
0x36: {  	[tilespmem:$0x1E130] =	vst v1  }
0x37: {  	[tilespmem:$0x1E140] =	vst v1  }
0x38: {  	[tilespmem:$0x1E180] =	vst v0  }
0x39: {  	[tilespmem:$0x1E190] =	vst v0  }
0x3a: {  	[tilespmem:$0x1E1A0] =	vst v0  }
0x3b: {  	[tilespmem:$0x1E1B0] =	vst v0  }
0x3c: {  	[tilespmem:$0x1E1C0] =	vst v0  }
0x3d: {  	[tilespmem:$0x1E1D0] =	vst v0  }
0x3e: {  	[tilespmem:$0x1E1E0] =	vst v0  }
0x3f: {  	[tilespmem:$0x1E1F0] =	vst v0  }
0x40: {  	[tilespmem:$0x1E200] =	vst v0  }
0x41: {  	[tilespmem:$0x1E210] =	vst v0  }
0x42: {  	[tilespmem:$0x1E220] =	vst v0  }
0x43: {  	[tilespmem:$0x1E230] =	vst v0  }
0x44: {  	[tilespmem:$0x1E240] =	vst v0  }
0x45: {  	[tilespmem:$0x1E250] =	vst v0  }
0x46: {  	[tilespmem:$0x1E260] =	vst v0  }
0x47: {  	[tilespmem:$0x1E270] =	vst v0  }
0x48: {  	[tilespmem:$0x1E280] =	vst v0  }
0x49: {  	[tilespmem:$0x1E290] =	vst v0  }
0x4a: {  	[tilespmem:$0x1E2A0] =	vst v0  }
0x4b: {  	[tilespmem:$0x1E2B0] =	vst v0  }
0x4c: {  	[tilespmem:$0x1E2C0] =	vst v0  }
0x4d: {  	[tilespmem:$0x1E2D0] =	vst v0  }
0x4e: {  	[tilespmem:$0x1E2E0] =	vst v0  }
0x4f: {  	[tilespmem:$0x1E2F0] =	vst v0  }
0x50: {  	[tilespmem:$0x1E300] =	vst v0  }
0x51: {  	[tilespmem:$0x1E310] =	vst v0  }
0x52: {  	[tilespmem:$0x1E320] =	vst v0  }
0x53: {  	[tilespmem:$0x1E330] =	vst v0  }
0x54: {  	[tilespmem:$0x1E340] =	vst v0  }
0x55: {  	[tilespmem:$0x1E350] =	vst v0  }
0x56: {  	[tilespmem:$0x1E360] =	vst v0  }
0x57: {  	[tilespmem:$0x1E370] =	vst v0  }
0x58: {  	[tilespmem:$0x1E380] =	vst v0  }
0x59: {  	[tilespmem:$0x1E390] =	vst v0  }
0x5a: {  	[tilespmem:$0x1E3A0] =	vst v0  }
0x5b: {  	[tilespmem:$0x1E3B0] =	vst v0  }
0x5c: {  	[tilespmem:$0x1E3C0] =	vst v0  }
0x5d: {  	[tilespmem:$0x1E3D0] =	vst v0  }
0x5e: {  	[tilespmem:$0x1E3E0] =	vst v0  }
0x5f: {  	[tilespmem:$0x1E3F0] =	vst v0  }
0x60: {  	_ =	swait.ge [sflag:s24], $0x2710  }
0x61: {  	s9 =	simm.s32 $0x0;
	[sflag:s24] =	ssyncset.done $0x0  }
0x62: {  	s10 =	simm.s32 $0x2780;
	s6 =	rddreg [dreg:$0x7];
	[sflag:s24] =	ssyncadd.s32 $0xFFFFD8F0  }
0x63: {  	[tilespmem:s10], [sflag:$0x1] =	stream.linear.gather [hbm4b:s6+s9], $0x50, $0x38;
	[tilespmem:$0x1E680] =	vst v63  }
0x64: {  	s18 =	simm.s32 $0x2900  }
0x65: {  	[tilespmem:s18], [sflag:$0x1] =	stream.indirect.gather [hbm4b:s1+s26], $0x80, s9, s26, $0xb8;
	[tilespmem:$0x1E680] =	vst v63  }
0x66: {  	s20 =	simm.s32 $0x2800;
	s19 =	rddreg [dreg:$0x8]  }
0x67: {  	[tilespmem:s20], [sflag:$0x2] =	stream.linear.gather [hbm4b:s19+s9], $0x50, $0x38;
	[tilespmem:$0x1E680] =	vst v63  }
0x68: {  	s11 =	simm.s32 $0x5100  }
0x69: {  	[tilespmem:s11], [sflag:$0x2] =	stream.indirect.gather [hbm4b:s1+s26], $0x80, s26, s26, $0xb8;
	[tilespmem:$0x1E680] =	vst v63  }
0x6a: {  	_ = 	snop  }
0x6b: {  	[spmem:s8] =	stream.linear.scatter [tilespmem:s31], [sflag:$0x4], $0x2800, $0x38;
	[tilespmem:$0x1E680] =	vst v63  }
0x6c: {  	s12 =	rddreg [dreg:$0x9]  }
0x6d: {  	[spmem:s12] =	stream.linear.scatter [tilespmem:s31], [sflag:$0x4], $0x2800, $0x38;
	[tilespmem:$0x1E680] =	vst v63  }
0x6e: {  	s13 =	rddreg [dreg:$0xa]  }
0x6f: {  	[spmem:s13] =	stream.linear.scatter [tilespmem:s31], [sflag:$0x4], $0x2800, $0x38;
	[tilespmem:$0x1E680] =	vst v63  }
0x70: {  	s14 =	rddreg [dreg:$0xb]  }
0x71: {  	[spmem:s14] =	stream.linear.scatter [tilespmem:s31], [sflag:$0x4], $0x2800, $0x38;
	[tilespmem:$0x1E680] =	vst v63  }
0x72: {  	s15 =	rddreg [dreg:$0xc]  }
0x73: {  	[spmem:s15] =	stream.linear.scatter [tilespmem:s31], [sflag:$0x4], $0x2800, $0x38;
	[tilespmem:$0x1E680] =	vst v63  }
0x74: {  	s16 =	rddreg [dreg:$0xd]  }
0x75: {  	[spmem:s16] =	stream.linear.scatter [tilespmem:s31], [sflag:$0x4], $0x2800, $0x38;
	[tilespmem:$0x1E680] =	vst v63  }
0x76: {  	s18 =	rddreg [dreg:$0xe]  }
0x77: {  	[spmem:s18] =	stream.linear.scatter [tilespmem:s31], [sflag:$0x4], $0x2800, $0x38;
	[tilespmem:$0x1E680] =	vst v63  }
0x78: {  	s19 =	rddreg [dreg:$0xf]  }
0x79: {  	[spmem:s19] =	stream.linear.scatter [tilespmem:s31], [sflag:$0x4], $0x2800, $0x38;
	[tilespmem:$0x1E680] =	vst v63  }
0x7a: {  	s20 =	simm.s32 $0x1E180  }
0x7b: {  	[spmem:s17] =	stream.linear.scatter [tilespmem:s20], [sflag:$0xA], $0x280, $0x38;
	[tilespmem:$0x1E680] =	vst v63  }
0x7c: {  	_ =	swait.ge [sflag:s5], $0x280  }
0x7d: {  	[sflag:s5] =	ssyncset.done $0x0  }
0x7e: {  	[sflag:s5] =	ssyncadd.s32 $0xFFFFFD80  }
0x7f: {  	_ =	swait.ge [sflag:s25], $0x2800  }
0x80: {  	[sflag:s25] =	ssyncset.done $0x0  }
0x81: {  	[sflag:s25] =	ssyncadd.s32 $0xFFFFD800  }
0x82: {  	_ =	swait.ge [sflag:s25], $0x2800  }
0x83: {  	[sflag:s25] =	ssyncset.done $0x0  }
0x84: {  	[sflag:s25] =	ssyncadd.s32 $0xFFFFD800  }
0x85: {  	_ =	swait.ge [sflag:s25], $0x2800  }
0x86: {  	[sflag:s25] =	ssyncset.done $0x0  }
0x87: {  	[sflag:s25] =	ssyncadd.s32 $0xFFFFD800  }
0x88: {  	_ =	swait.ge [sflag:s25], $0x2800  }
0x89: {  	[sflag:s25] =	ssyncset.done $0x0  }
0x8a: {  	[sflag:s25] =	ssyncadd.s32 $0xFFFFD800  }
0x8b: {  	_ =	swait.ge [sflag:s25], $0x2800  }
0x8c: {  	[sflag:s25] =	ssyncset.done $0x0  }
0x8d: {  	[sflag:s25] =	ssyncadd.s32 $0xFFFFD800  }
0x8e: {  	_ =	swait.ge [sflag:s25], $0x2800  }
0x8f: {  	[sflag:s25] =	ssyncset.done $0x0  }
0x90: {  	[sflag:s25] =	ssyncadd.s32 $0xFFFFD800  }
0x91: {  	_ =	swait.ge [sflag:s25], $0x2800  }
0x92: {  	[sflag:s25] =	ssyncset.done $0x0  }
0x93: {  	[sflag:s25] =	ssyncadd.s32 $0xFFFFD800  }
0x94: {  	_ =	swait.ge [sflag:s25], $0x2800  }
0x95: {  	[sflag:s25] =	ssyncset.done $0x0  }
0x96: {  	[sflag:s25] =	ssyncadd.s32 $0xFFFFD800  }
0x97: {  	s10 =	simm.s32 $0x140;
	s11 =	simm.s32 $0x0;
	[bflag:$0x0] =	sbarrier.arrive $0xFFFF  }
.LBB2_4:
0x98: {  	p0 =	seq.s32 s9, $0x4EC  }
0x99: {  	s12 =	simm.s32 @!p0 $0x1  }
0x9a: {  	_ =	swait.ge @!p0 [sflag:s12], $0x50  }
0x9b: {  	[sflag:s12] =	ssyncset.done @!p0 $0x0  }
0x9c: {  	[sflag:s12] =	ssyncadd.s32 @!p0 $0xFFFFFFB0  }
0x9d: {  	_ =	swait.ge @!p0 [sflag:s12], $0x2800  }
0x9e: {  	s13 =	simm.s32 @!p0 $0x2780;
	s14 =	simm.s32 @!p0 $0x1E100;
	[sflag:s12] =	ssyncset.done @!p0 $0x0  }
0x9f: {  	p2 =	sgt.u32 @!p0 s11, $0x28;
	[sflag:s12] =	ssyncadd.s32 @!p0 $0xFFFFD800;
	s12 =	simm.s32 @!p0 $0x50  }
0xa0: {  	[spmem:s4] =	stream.indirect.scatter.add.f32 @!p0 [tilespmem:s14], [sflag:$0x7], $0x1, s13, s12, $0xb8;
	[tilespmem:$0x1E680] =	vst v63  }
0xa1: {  	p1 =	por !p2, p0;
	s14 =	simm.s32 @!p0 $0x2900  }
0xa2: {  	[spmem:s2] =	stream.indirect.scatter.add.f32 @!p0 [tilespmem:s14], [sflag:$0x4], $0x80, s13, s12, $0xb8;
	[tilespmem:$0x1E680] =	vst v63  }
0xa3: {  	s12 =	simm.s32 @!p1 $0x2  }
0xa4: {  	_ =	swait.ge @!p1 [sflag:s12], $0x50  }
0xa5: {  	[sflag:s12] =	ssyncset.done @!p1 $0x0  }
0xa6: {  	[sflag:s12] =	ssyncadd.s32 @!p1 $0xFFFFFFB0  }
0xa7: {  	_ =	swait.ge @!p1 [sflag:s12], $0x2800  }
0xa8: {  	s13 =	simm.s32 @!p1 $0x2800;
	[sflag:s12] =	ssyncset.done @!p1 $0x0  }
0xa9: {  	s14 =	simm.s32 @!p1 $0x1E100;
	[sflag:s12] =	ssyncadd.s32 @!p1 $0xFFFFD800;
	s12 =	simm.s32 @!p1 $0x50  }
0xaa: {  	[spmem:s4] =	stream.indirect.scatter.add.f32 @!p1 [tilespmem:s14], [sflag:$0x8], $0x1, s13, s12, $0xb8;
	[tilespmem:$0x1E680] =	vst v63  }
0xab: {  	s14 =	simm.s32 @!p1 $0x5100  }
0xac: {  	[spmem:s2] =	stream.indirect.scatter.add.f32 @!p1 [tilespmem:s14], [sflag:$0x5], $0x80, s13, s12, $0xb8;
	[tilespmem:$0x1E680] =	vst v63  }
0xad: {  	p1 =	por p2, p0  }
0xae: {  	p3 =	seq.s32 @!p1 s9, $0x0  }
0xaf: {  	p2 =	por @!p0 p3, p2  }
0xb0: {  	p2 =	por p2, p0  }
0xb1: {  	s12 =	simm.s32 @!p2 $0x6  }
0xb2: {  	_ =	swait.ge @!p2 [sflag:s12], $0x2800  }
0xb3: {  	[sflag:s12] =	ssyncset.done @!p2 $0x0  }
0xb4: {  	[sflag:s12] =	ssyncadd.s32 @!p2 $0xFFFFD800;
	s12 =	simm.s32 @!p2 $0x9  }
0xb5: {  	_ =	swait.ge @!p2 [sflag:s12], $0x50  }
0xb6: {  	s13 =	simm.s32 @!p1 $0x0;
	[sflag:s12] =	ssyncset.done @!p2 $0x0  }
0xb7: {  	s14 =	simm.s32 @!p1 $0x2880;
	[sflag:s12] =	ssyncadd.s32 @!p2 $0xFFFFFFB0;
	s12 =	sadd.s32 @!p1 s9, s23  }
0xb8: {  	[tilespmem:s14], [sflag:$0x3] =	stream.linear.gather @!p1 [hbm4b:s12+s13], $0x50, $0x38;
	[tilespmem:$0x1E680] =	vst v63  }
0xb9: {  	s15 =	simm.s32 @!p1 $0x50;
	s16 =	simm.s32 @!p1 $0x7900;
	s12 =	sadd.s32 @!p1 $0xFFFFFF60, s10  }
0xba: {  	[tilespmem:s16], [sflag:$0x3] =	stream.indirect.gather @!p1 [hbm4b:s1+s15], $0x80, s12, s15, $0xb8;
	[tilespmem:$0x1E680] =	vst v63  }
0xbb: {  	s12 =	simm.s32 @!p1 $0x2  }
0xbc: {  	_ =	swait.ge @!p1 [sflag:s12], $0x50  }
0xbd: {  	[sflag:s12] =	ssyncset.done @!p1 $0x0  }
0xbe: {  	[sflag:s12] =	ssyncadd.s32 @!p1 $0xFFFFFFB0  }
0xbf: {  	_ =	swait.ge @!p1 [sflag:s12], $0x2800  }
0xc0: {  	[sflag:s12] =	ssyncset.done @!p1 $0x0  }
0xc1: {  	s6 =	simm.s32 @!p1 $0x1E100;
	[sflag:s12] =	ssyncadd.s32 @!p1 $0xFFFFD800;
	s12 =	simm.s32 @!p1 $0x2800  }
0xc2: {  	[spmem:s4] =	stream.indirect.scatter.add.f32 @!p1 [tilespmem:s6], [sflag:$0x8], $0x1, s12, s15, $0xb8;
	[tilespmem:$0x1E680] =	vst v63  }
0xc3: {  	s18 =	simm.s32 @!p1 $0x5100;
	s19 =	simm.s32 @!p1 $0x4  }
0xc4: {  	[spmem:s2] =	stream.indirect.scatter.add.f32 @!p1 [tilespmem:s18], [sflag:$0x5], $0x80, s12, s15, $0xb8;
	[tilespmem:$0x1E680] =	vst v63  }
0xc5: {  	_ =	swait.ge @!p1 [sflag:s19], $0x2800  }
0xc6: {  	[sflag:s19] =	ssyncset.done @!p1 $0x0  }
0xc7: {  	[sflag:s19] =	ssyncadd.s32 @!p1 $0xFFFFD800;
	s19 =	simm.s32 @!p1 $0x7  }
0xc8: {  	_ =	swait.ge @!p1 [sflag:s19], $0x50  }
0xc9: {  	[sflag:s19] =	ssyncset.done @!p1 $0x0  }
0xca: {  	s20 =	simm.s32 @!p1 $0x2780;
	[sflag:s19] =	ssyncadd.s32 @!p1 $0xFFFFFFB0;
	s19 =	sadd.s32 @!p1 s9, s22  }
0xcb: {  	[tilespmem:s20], [sflag:$0x1] =	stream.linear.gather @!p1 [hbm4b:s19+s13], $0x50, $0x38;
	[tilespmem:$0x1E680] =	vst v63  }
0xcc: {  	s19 =	sadd.s32 @!p1 $0xFFFFFFB0, s10;
	s20 =	simm.s32 @!p1 $0x2900  }
0xcd: {  	[tilespmem:s20], [sflag:$0x1] =	stream.indirect.gather @!p1 [hbm4b:s1+s15], $0x80, s19, s15, $0xb8;
	[tilespmem:$0x1E680] =	vst v63  }
0xce: {  	s19 =	simm.s32 @!p1 $0x3  }
0xcf: {  	_ =	swait.ge @!p1 [sflag:s19], $0x50  }
0xd0: {  	[sflag:s19] =	ssyncset.done @!p1 $0x0  }
0xd1: {  	[sflag:s19] =	ssyncadd.s32 @!p1 $0xFFFFFFB0  }
0xd2: {  	_ =	swait.ge @!p1 [sflag:s19], $0x2800  }
0xd3: {  	[sflag:s19] =	ssyncset.done @!p1 $0x0  }
0xd4: {  	[sflag:s19] =	ssyncadd.s32 @!p1 $0xFFFFD800  }
0xd5: {  	[spmem:s4] =	stream.indirect.scatter.add.f32 @!p1 [tilespmem:s6], [sflag:$0x9], $0x1, s14, s15, $0xb8;
	[tilespmem:$0x1E680] =	vst v63  }
0xd6: {  	s6 =	simm.s32 @!p1 $0x5  }
0xd7: {  	[spmem:s2] =	stream.indirect.scatter.add.f32 @!p1 [tilespmem:s16], [sflag:$0x6], $0x80, s14, s15, $0xb8;
	[tilespmem:$0x1E680] =	vst v63  }
0xd8: {  	_ =	swait.ge @!p1 [sflag:s6], $0x2800  }
0xd9: {  	[sflag:s6] =	ssyncset.done @!p1 $0x0  }
0xda: {  	[sflag:s6] =	ssyncadd.s32 @!p1 $0xFFFFD800;
	s6 =	simm.s32 @!p1 $0x8  }
0xdb: {  	_ =	swait.ge @!p1 [sflag:s6], $0x50  }
0xdc: {  	[sflag:s6] =	ssyncset.done @!p1 $0x0  }
0xdd: {  	[sflag:s6] =	ssyncadd.s32 @!p1 $0xFFFFFFB0;
	s6 =	sadd.s32 @!p1 s9, s21  }
0xde: {  	[tilespmem:s12], [sflag:$0x2] =	stream.linear.gather @!p1 [hbm4b:s6+s13], $0x50, $0x38;
	[tilespmem:$0x1E680] =	vst v63  }
0xdf: {  	s9 =	sadd.s32 @!p0 $0x1E, s9  }
0xe0: {  	[tilespmem:s18], [sflag:$0x2] =	stream.indirect.gather @!p1 [hbm4b:s1+s15], $0x80, s10, s15, $0xb8;
	[tilespmem:$0x1E680] =	vst v63  }
0xe1: {  	p1 =	sne.s32 @!p0 s9, $0x50A  }
0xe2: {  	p1 =	por p0, !p1  }
.Ltmp1:
0xe3: {  	_ = 	snop;
	(pc) =	sbr.rel @!p1 .LBB2_4-.Ltmp1, $2  }
0xe4: {  	_ =	sdelay $0x2  }
0xe5: {  	s11 =	sadd.s32 @!p0 $0x1, s11;
	s10 =	sadd.s32 @!p0 $0xF0, s10  }
0xe6: {  	_ =	swait.ge [sflag:s25], $0x2800  }
0xe7: {  	[sflag:s25] =	ssyncset.done $0x0  }
0xe8: {  	[sflag:s25] =	ssyncadd.s32 $0xFFFFD800  }
0xe9: {  	_ =	swait.ge [sflag:s28], $0x50  }
0xea: {  	[sflag:s28] =	ssyncset.done $0x0  }
0xeb: {  	[sflag:s28] =	ssyncadd.s32 $0xFFFFFFB0  }
0xec: {  	_ =	swait.ge [sflag:s29], $0x2800  }
0xed: {  	[sflag:s29] =	ssyncset.done $0x0  }
0xee: {  	[sflag:s29] =	ssyncadd.s32 $0xFFFFD800  }
0xef: {  	_ =	swait.ge [sflag:s30], $0x50  }
0xf0: {  	[sflag:s30] =	ssyncset.done $0x0  }
0xf1: {  	[sflag:s30] =	ssyncadd.s32 $0xFFFFFFB0  }
0xf2: {  	_ =	swait.ge [sflag:s0], $0x2800  }
0xf3: {  	[sflag:s0] =	ssyncset.done $0x0  }
0xf4: {  	[sflag:s0] =	ssyncadd.s32 $0xFFFFD800  }
0xf5: {  	_ =	swait.ge [sflag:s3], $0x50  }
0xf6: {  	[sflag:s3] =	ssyncset.done $0x0  }
0xf7: {  	s6 =	stileid.u32;
	[sflag:s3] =	ssyncadd.s32 $0xFFFFFFB0  }
0xf8: {  	s6 =	sshll.u32 s6, $0x6;
	[bflag:$0x0] =	sbarrier.arrive $0xFFFF  }
0xf9: {  	s9 =	sshrl.u32 s8, $0x3;
	s6 =	sor.u32 $0x1C0A, s6;
	s10 =	rddreg [dreg:$0x10]  }
0xfa: {  	[hbm:s10], [sflag:s6] =	dma.local [spmem:s9], $0x2800  }
0xfb: {  	_ =	swait.ge [sflag:s5], $0x2800  }
0xfc: {  	s18 =	sshrl.u32 s17, $0x3;
	s11 =	simm.s32 $0x20;
	[sflag:s5] =	ssyncset.done $0x0  }
0xfd: {  	s12 =	simm.s32 $0x10;
	s19 =	rddreg [dreg:$0x11];
	[sflag:s5] =	ssyncadd.s32 $0xFFFFD800  }
0xfe: {  	[hbm:s19@s11], [sflag:s6] =	dma.strided [spmem:s18@s12], $0x50, s24, $0x10   }
0xff: {  	_ =	swait.ge [sflag:s5], $0x50  }
0x100: {  	s7 =	sadd.s32 $0x1, s7;
	s20 =	rddreg [dreg:$0x12]  }
0x101: {  	p0 =	sne.s32 s7, s20  }
.Ltmp2:
0x102: {  	_ = 	snop;
	(pc) =	sbr.rel @p0 .LBB2_1-.Ltmp2, $3  }
0x103: {  	_ =	sdelay $0x1  }
0x104: {  	[sflag:s5] =	ssyncset.done $0x0  }
0x105: {  	[sflag:s5] =	ssyncadd.s32 $0xFFFFFFB0  }
0x106: {  	_ =	sfence.sel $0x180000  }
0x107: {  	[bflag:$0x0] =	sbarrier.arrive $0xFFFF  }
0x108: {  	_ =	strace $0x90000047  }
0x109: {  	s0 =	stileid.u32;
	[bflag:$0x2] =	sbarrier.arrive $0xFFFF  }
0x10a: {  	p0 =	sne.s32 s0, $0x0;
	s0 =	rddreg [dreg:$0x5]  }
0x10b: {  	s0 =	sadd.s32 @!p0 $0x100000, s0  }
0x10c: {  	[sflag:s0] =	ssyncadd.tile.s32 @!p0 $0x1;
	_ =	shalt  }
.Lfunc_end2:
_tile_overlayer_lowered:
.L_overlay_start_2:
0x10d: {  	(tag) =	ssettag $0x2  }
0x10e: {  	s0 =	rddreg [dreg:$0x0];
	s2 =	stileid.u32  }
0x10f: {  	s1 =	rddreg [dreg:$0x1];
	p0 =	sne.s32 s2, $0x0  }
0x110: {  	s3 =	rddreg [dreg:$0x2];
	[bflag:$0x3] =	sbarrier.arrive $0xFFFF;
	s2 =	simm.s32 @!p0 $0x1C0A  }
0x111: {  	[timem:s3], [sflag:s2] =	dma.local @!p0 [hbm:s0], s1  }
0x112: {  	s0 =	simm.s32 @!p0 $0xA  }
0x113: {  	_ =	swait.ge @!p0 [sflag:s0], s1  }
0x114: {  	s1 =	ssub.s32 @!p0 $0x0, s1;
	[sflag:s0] =	ssyncset.done @!p0 $0x0  }
0x115: {  	[sflag:s0] =	ssyncadd.s32 @!p0 s1  }
0x116: {  	[bflag:$0x3] =	sbarrier.arrive $0xFFFF  }
0x117: {  	_ =	shalt  }

</sc_bundles>
